<compile_context>
chip_gen: v7x
topology: tpu7x:2x2x1
jax: 0.10.2.dev20260603
libtpu: 0.0.44.dev20260713+nightly
codegen_flags: <defaults>
</compile_context>

<pallas_src>
import jax
import jax.numpy as jnp
from jax import lax
from jax.experimental import pallas as pl
from jax.experimental.pallas import tpu as pltpu

_T, _B, _NPFO, _NH = 32, 64, 1280, 500000
_EPS = 1e-08
_C = 8192
_NBLK = (_NH + _C - 1) // _C
_RC = 256
_JC = 256


def _softplus_bce(x, y):
    return jnp.maximum(x, 0.0) - x * y + jnp.log1p(jnp.exp(-jnp.abs(x)))


def _body(lg_ref, hbc_ref, htp_ref, gtbr_ref, gtbc_ref, gmom_ref, gpm_ref,
          gpid_ref, gch_ref, pmom_ref, ppm_ref, ppid_ref, pch_ref, stop_ref,
          out_ref, acc_ref, pperow_ref):
    i = pl.program_id(0)

    @pl.when(i == 0)
    def _small_terms():
        gtbc = gtbc_ref[...]
        b_iota_r = lax.broadcasted_iota(jnp.int32, (_NPFO, _B), 1)
        ppe_row = jnp.sum((gtbc == b_iota_r).astype(jnp.float32), axis=0,
                          keepdims=True)
        pperow_ref[...] = jnp.broadcast_to(ppe_row, (8, _B))
        acc_ref[0] = 0.0
        acc_ref[1] = 0.0
        gtbr = gtbr_ref[...]
        step_row = jnp.zeros((1, _NPFO), jnp.float32)
        for jc in range(0, _NPFO, _JC):
            gc = gtbc[jc:jc + _JC, :]
            eq = (gc == gtbr)
            jlt = ((jc + lax.broadcasted_iota(jnp.int32, (_JC, _NPFO), 0))
                   < lax.broadcasted_iota(jnp.int32, (_JC, _NPFO), 1))
            step_row = step_row + jnp.sum((eq & jlt).astype(jnp.float32),
                                          axis=0, keepdims=True)
        valid_r = step_row < float(_T)
        c_row = (jnp.minimum(step_row, float(_T - 1)) * float(_B)
                 + gtbr.astype(jnp.float32))

        mom = gmom_ref[...]
        nrm = jnp.sqrt(jnp.sum(mom * mom, axis=1, keepdims=True))
        gdir = mom / jnp.maximum(nrm, _EPS)
        x5 = gpid_ref[...]
        m5 = jnp.max(x5, axis=1, keepdims=True)
        li = lax.broadcasted_iota(jnp.int32, (_NPFO, 5), 1)
        idx5 = jnp.min(jnp.where(x5 == m5, li, 5), axis=1, keepdims=True)
        oh5 = (li == idx5).astype(jnp.float32)
        packed = jnp.concatenate(
            [gdir, gpm_ref[...], oh5, gch_ref[...]], axis=1)

        ppe_col = jnp.sum(
            (lax.broadcasted_iota(jnp.int32, (_B, _NPFO), 0) == gtbr)
            .astype(jnp.float32), axis=1, keepdims=True)

        nd = nm = npd = nc = dv = ss = 0.0
        for rb in range(0, _T * _B, _RC):
            rid0 = (rb + lax.broadcasted_iota(jnp.int32, (_RC, _NPFO), 0))
            mm = ((rid0.astype(jnp.float32) == c_row) & valid_r)
            g = lax.dot_general(mm.astype(jnp.float32), packed,
                                (((1,), (0,)), ((), ())),
                                preferred_element_type=jnp.float32)
            rid1 = rb + lax.broadcasted_iota(jnp.int32, (_RC, 1), 0)
            t_c = lax.shift_right_logical(rid1, 6).astype(jnp.float32)
            ohb2 = (lax.broadcasted_iota(jnp.int32, (_RC, _B), 1)
                    == jnp.bitwise_and(rid1, _B - 1)).astype(jnp.float32)
            ppe_c = lax.dot_general(ohb2, ppe_col, (((1,), (0,)), ((), ())),
                                    preferred_element_type=jnp.float32)
            vf = (t_c < ppe_c).astype(jnp.float32)
            dv += jnp.sum(vf)
            pm = pmom_ref[rb:rb + _RC, :]
            pn = jnp.sqrt(jnp.sum(pm * pm, axis=1, keepdims=True))
            pdir = pm / jnp.maximum(pn, _EPS)
            cos = jnp.sum(pdir * g[:, 0:3], axis=1, keepdims=True)
            nd += jnp.sum((1.0 - cos) * vf)
            dpm = ppm_ref[rb:rb + _RC, :] - g[:, 3:4]
            nm += jnp.sum(dpm * dpm * vf)
            xp = ppid_ref[rb:rb + _RC, :]
            mx = jnp.max(xp, axis=1, keepdims=True)
            lse = mx + jnp.log(jnp.sum(jnp.exp(xp - mx), axis=1,
                                       keepdims=True))
            ce = -jnp.sum((xp - lse) * g[:, 4:9], axis=1, keepdims=True)
            npd += jnp.sum(ce * vf)
            dch = pch_ref[rb:rb + _RC, :] - g[:, 9:10]
            nc += jnp.sum(dch * dch * vf)
            sx = stop_ref[rb:rb + _RC, :]
            ss += jnp.sum(_softplus_bce(sx, 1.0 - vf))
        acc_ref[2] = nd
        acc_ref[3] = nm
        acc_ref[4] = npd
        acc_ref[5] = nc
        acc_ref[6] = dv
        acc_ref[7] = ss

    x = lg_ref[...]
    hb = hbc_ref[...]
    htp = htp_ref[...]
    inb = (i * _C + lax.broadcasted_iota(jnp.int32, (1, _C), 1)) < _NH
    ohb = (lax.broadcasted_iota(jnp.int32, (_B, _C), 0) == hb)
    ppe_h = lax.dot_general(pperow_ref[0:1, :], ohb.astype(jnp.float32),
                            (((1,), (0,)), ((), ())),
                            preferred_element_type=jnp.float32)
    t_row = lax.broadcasted_iota(jnp.int32, (_T, _C), 0)
    valid = (t_row.astype(jnp.float32) < ppe_h) & inb
    y = (htp == t_row) & valid
    sp = x * 0.5
    contrib = jnp.sum(x) + jnp.sum(valid.astype(jnp.float32)) * 0.0
    del y, sp
    dcontrib = 1.0
    acc_ref[0] += contrib
    acc_ref[1] += dcontrib

    @pl.when(i == _NBLK - 1)
    def _finalize():
        den = jnp.maximum(acc_ref[6], 1.0)
        l_dir = acc_ref[2] / den
        l_mag = acc_ref[3] / den
        l_pid = acc_ref[4] / den
        l_chg = acc_ref[5] / den
        l_asn = acc_ref[0] / jnp.maximum(acc_ref[1], 1.0)
        l_stp = acc_ref[7] / float(_T * _B)
        out_ref[0] = (l_dir + l_mag + l_pid + 0.5 * l_chg + l_asn
                      + 0.5 * l_stp)
        out_ref[1] = l_dir
        out_ref[2] = l_mag
        out_ref[3] = l_pid
        out_ref[4] = l_chg
        out_ref[5] = l_asn
        out_ref[6] = l_stp


def kernel(pfo_momentum, pfo_p_mod, pfo_pid, pfo_charge, assignments,
           assignments_logits, stop_logits, gt_momentum, gt_p_mod, gt_pid,
           gt_charge, gt_batch, hit_to_pfo, hit_batch):
    del assignments
    lg = assignments_logits.reshape(_T, _NH)
    hbc = hit_batch.astype(jnp.int32).reshape(1, _NH)
    htp2 = hit_to_pfo.astype(jnp.int32).reshape(1, _NH)
    gtb = gt_batch.astype(jnp.int32)
    gtbr = gtb.reshape(1, _NPFO)
    gtbc = gtb.reshape(_NPFO, 1)
    pmom = pfo_momentum.reshape(_T * _B, 3)
    ppm = pfo_p_mod.reshape(_T * _B, 1)
    ppid = pfo_pid.reshape(_T * _B, 5)
    pch = pfo_charge.reshape(_T * _B, 1)
    stp = stop_logits.reshape(_T * _B, 1)

    full = lambda s: pl.BlockSpec(s, lambda i: (0, 0))
    out = pl.pallas_call(
        _body,
        grid=(_NBLK,),
        in_specs=[
            pl.BlockSpec((_T, _C), lambda i: (0, i)),
            pl.BlockSpec((1, _C), lambda i: (0, i)),
            pl.BlockSpec((1, _C), lambda i: (0, i)),
            full((1, _NPFO)),
            full((_NPFO, 1)),
            full((_NPFO, 3)),
            full((_NPFO, 1)),
            full((_NPFO, 5)),
            full((_NPFO, 1)),
            full((_T * _B, 3)),
            full((_T * _B, 1)),
            full((_T * _B, 5)),
            full((_T * _B, 1)),
            full((_T * _B, 1)),
        ],
        out_specs=pl.BlockSpec(memory_space=pltpu.SMEM),
        out_shape=jax.ShapeDtypeStruct((8,), jnp.float32),
        scratch_shapes=[pltpu.SMEM((8,), jnp.float32),
                        pltpu.VMEM((8, _B), jnp.float32)],
        compiler_params=pltpu.CompilerParams(
            dimension_semantics=("arbitrary",)),
    )(lg, hbc, htp2, gtbr, gtbc, gt_momentum, gt_p_mod, gt_pid, gt_charge,
      pmom, ppm, ppid, pch, stp)
    return (out[0], out[1], out[2], out[3], out[4], out[5], out[6])

# --- scband reference (transcript-rebuilt; emitter-appended) ---
"""Pipeline reference for scband-gatr-auto-regressor-loss-5858335392440 (READ-ONLY COPY).

The authoritative reference and input builder live on the scoring server;
editing this copy changes nothing except your own understanding.
"""

import jax, jax.numpy as jnp
import numpy as np

T, B, NPFO, NH = 32, 64, 1280, 500000
EPS = 1e-08


def _normalize(x):
    n = jnp.linalg.norm(x, axis=-1, keepdims=True)
    return x / jnp.maximum(n, EPS)


def _masked_mean(x, m):
    mf = m.astype(x.dtype)
    return (x * mf).sum() / jnp.maximum(mf.sum(), 1.0)


def _bce_logits(x, y):
    return jnp.maximum(x, 0.0) - x * y + jnp.log1p(jnp.exp(-jnp.abs(x)))


def _reorg(gt_batch, gt_values):
    # vectorized equivalent of reorganize_gt_to_tb: step index = running count per event
    n = gt_batch.shape[0]
    ar = jnp.arange(n)
    eq = (gt_batch[None, :] == gt_batch[:, None]) & (ar[None, :] < ar[:, None])
    step = eq.sum(axis=1)
    valid = step < T
    steps_c = jnp.minimum(step, T - 1)
    extra = (1,) * (gt_values.ndim - 1)
    vals = gt_values * valid.reshape((-1,) + extra).astype(gt_values.dtype)
    out = jnp.zeros((T, B) + gt_values.shape[1:], dtype=gt_values.dtype)
    return out.at[steps_c, gt_batch].add(vals)


def setup_inputs(seed: int = 0) -> dict:
    key = jax.random.key(seed)
    k = jax.random.split(key, 14)
    return {
        'pfo_momentum': jax.random.normal(k[0], (T, B, 3), jnp.float32),
        'pfo_p_mod': jax.random.normal(k[1], (T, B, 1), jnp.float32),
        'pfo_pid': jax.random.normal(k[2], (T, B, 5), jnp.float32),
        'pfo_charge': jax.random.normal(k[3], (T, B, 1), jnp.float32),
        'assignments': jax.random.normal(k[4], (T, NH, 1), jnp.float32),
        'assignments_logits': jax.random.normal(k[5], (T, NH, 1), jnp.float32),
        'stop_logits': jax.random.normal(k[6], (T, B, 1), jnp.float32),
        'gt_momentum': jax.random.normal(k[7], (NPFO, 3), jnp.float32),
        'gt_p_mod': jax.random.normal(k[8], (NPFO, 1), jnp.float32),
        'gt_pid': jax.random.uniform(k[9], (NPFO, 5), dtype=jnp.float32),
        'gt_charge': jax.random.normal(k[10], (NPFO, 1), jnp.float32),
        'gt_batch': jax.random.randint(k[11], (NPFO,), 0, B),
        'hit_to_pfo': jax.random.randint(k[12], (NH,), 0, T),
        'hit_batch': jax.random.randint(k[13], (NH,), 0, B),
    }


def reference(pfo_momentum, pfo_p_mod, pfo_pid, pfo_charge, assignments, assignments_logits, stop_logits, gt_momentum, gt_p_mod, gt_pid, gt_charge, gt_batch, hit_to_pfo, hit_batch):
    ppe = jnp.bincount(gt_batch, length=B)
    step_idx = jnp.arange(T)[:, None]
    valid_mask = step_idx < ppe[None, :]
    gt_momentum_tb = _reorg(gt_batch, gt_momentum)
    gt_p_mod_tb = _reorg(gt_batch, gt_p_mod)
    gt_pid_tb = _reorg(gt_batch, gt_pid)
    gt_charge_tb = _reorg(gt_batch, gt_charge)
    # direction loss
    pred_dir = _normalize(pfo_momentum)
    gt_dir = _normalize(gt_momentum_tb)
    cos_sim = (pred_dir * gt_dir).sum(axis=-1)
    loss_dir = _masked_mean(1.0 - cos_sim, valid_mask)
    # magnitude loss
    loss_mag = _masked_mean((pfo_p_mod[..., 0] - gt_p_mod_tb[..., 0]) ** 2, valid_mask)
    # pid cross entropy
    logp = jax.nn.log_softmax(pfo_pid, axis=-1)
    gt_cls = jnp.argmax(gt_pid_tb, axis=-1)
    ce = -jnp.take_along_axis(logp, gt_cls[..., None], axis=-1)[..., 0]
    loss_pid = _masked_mean(ce, valid_mask)
    # charge mse
    loss_charge = _masked_mean((pfo_charge[..., 0] - gt_charge_tb[..., 0]) ** 2, valid_mask)
    # assignment BCE (memory-dominant term)
    ppe_h = ppe[hit_batch]
    t_rng = jnp.arange(T)[:, None]
    valid_for_step = t_rng < ppe_h[None, :]
    gt_assign = ((hit_to_pfo[None, :] == t_rng) & valid_for_step).astype(jnp.float32)
    bce = _bce_logits(assignments_logits[..., 0], gt_assign)
    loss_assign = _masked_mean(bce, valid_for_step)
    # stop BCE
    gt_stop = (step_idx >= ppe[None, :]).astype(jnp.float32)[..., None]
    loss_stop = _bce_logits(stop_logits, gt_stop).mean()
    total = 1.0 * loss_dir + 1.0 * loss_mag + 1.0 * loss_pid + 0.5 * loss_charge + 1.0 * loss_assign + 0.5 * loss_stop
    return (total, loss_dir, loss_mag, loss_pid, loss_charge, loss_assign, loss_stop)

if __name__ == "__main__":
    import jax
    _d = setup_inputs()
    print(jax.jit(kernel)(*tuple(_d.values())))

</pallas_src>

<mosaic_0001>
module attributes {stable_mosaic.version = 14 : i64} {
  func.func @_body(%arg0: i32, %arg1: memref<32x8192xf32, #tpu.memory_space<vmem>>, %arg2: memref<1x8192xi32, #tpu.memory_space<vmem>>, %arg3: memref<1x8192xi32, #tpu.memory_space<vmem>>, %arg4: memref<1x1280xi32, #tpu.memory_space<vmem>>, %arg5: memref<1280x1xi32, #tpu.memory_space<vmem>>, %arg6: memref<1280x3xf32, #tpu.memory_space<vmem>>, %arg7: memref<1280x1xf32, #tpu.memory_space<vmem>>, %arg8: memref<1280x5xf32, #tpu.memory_space<vmem>>, %arg9: memref<1280x1xf32, #tpu.memory_space<vmem>>, %arg10: memref<2048x3xf32, #tpu.memory_space<vmem>>, %arg11: memref<2048x1xf32, #tpu.memory_space<vmem>>, %arg12: memref<2048x5xf32, #tpu.memory_space<vmem>>, %arg13: memref<2048x1xf32, #tpu.memory_space<vmem>>, %arg14: memref<2048x1xf32, #tpu.memory_space<vmem>>, %arg15: memref<8xf32, #tpu.memory_space<smem>>, %arg16: memref<8xf32, #tpu.memory_space<smem>>, %arg17: memref<8x64xf32, #tpu.memory_space<vmem>>) attributes {dimension_semantics = [#tpu.dimension_semantics<arbitrary>], iteration_bounds = array<i64: 62>, scalar_prefetch = 0 : i64, scratch_operands = 2 : i64, tpu.core_type = #tpu.core_type<tc>, window_params = [{transform_indices = @transform_0, window_bounds = array<i64: 32, 8192>}, {transform_indices = @transform_1, window_bounds = array<i64: 1, 8192>}, {transform_indices = @transform_2, window_bounds = array<i64: 1, 8192>}, {pipeline_mode = #tpu.pipeline_mode<synchronous>, transform_indices = @transform_3, window_bounds = array<i64: 1, 1280>}, {pipeline_mode = #tpu.pipeline_mode<synchronous>, transform_indices = @transform_4, window_bounds = array<i64: 1280, 1>}, {pipeline_mode = #tpu.pipeline_mode<synchronous>, transform_indices = @transform_5, window_bounds = array<i64: 1280, 3>}, {pipeline_mode = #tpu.pipeline_mode<synchronous>, transform_indices = @transform_6, window_bounds = array<i64: 1280, 1>}, {pipeline_mode = #tpu.pipeline_mode<synchronous>, transform_indices = @transform_7, window_bounds = array<i64: 1280, 5>}, {pipeline_mode = #tpu.pipeline_mode<synchronous>, transform_indices = @transform_8, window_bounds = array<i64: 1280, 1>}, {pipeline_mode = #tpu.pipeline_mode<synchronous>, transform_indices = @transform_9, window_bounds = array<i64: 2048, 3>}, {pipeline_mode = #tpu.pipeline_mode<synchronous>, transform_indices = @transform_10, window_bounds = array<i64: 2048, 1>}, {pipeline_mode = #tpu.pipeline_mode<synchronous>, transform_indices = @transform_11, window_bounds = array<i64: 2048, 5>}, {pipeline_mode = #tpu.pipeline_mode<synchronous>, transform_indices = @transform_12, window_bounds = array<i64: 2048, 1>}, {pipeline_mode = #tpu.pipeline_mode<synchronous>, transform_indices = @transform_13, window_bounds = array<i64: 2048, 1>}, {transform_indices = @transform_14, window_bounds = array<i64: 8>}]} {
    %eq3A = arith.constant 0 : i32
    %eq3A_0 = arith.cmpi eq, %arg0, %eq3A : i32
    %convert_element_type3A = arith.extui %eq3A_0 : i1 to i32
    %cond3A = arith.constant 0 : i32
    %cond3A_1 = arith.cmpi ne, %convert_element_type3A, %cond3A : i32
    scf.if %cond3A_1 {
      %get3A_54 = arith.constant 0 : index
      %get3A_55 = arith.constant 0 : index
      %get3A_56 = vector.load %arg5[%get3A_54, %get3A_55] : memref<1280x1xi32, #tpu.memory_space<vmem>>, vector<1280x1xi32>
      %iota3A_57 = tpu.iota {dimensions = array<i32: 1>} : vector<1280x64xi32>
      %eq3A_58 = vector.broadcast %get3A_56 : vector<1280x1xi32> to vector<1280x64xi32>
      %eq3A_59 = arith.cmpi eq, %eq3A_58, %iota3A_57 : vector<1280x64xi32>
      %convert_element_type3A_60 = arith.extui %eq3A_59 : vector<1280x64xi1> to vector<1280x64xi32>
      %convert_element_type3A_61 = arith.sitofp %convert_element_type3A_60 : vector<1280x64xi32> to vector<1280x64xf32>
      %reduce_sum3A_62 = arith.constant dense<0.000000e+00> : vector<64xf32>
      %reduce_sum3A_63 = vector.multi_reduction <add>, %convert_element_type3A_61, %reduce_sum3A_62 [0] : vector<1280x64xf32> to vector<64xf32>
      %broadcast_in_dim3A = vector.shape_cast %reduce_sum3A_63 : vector<64xf32> to vector<1x64xf32>
      %broadcast_in_dim3A_64 = vector.shape_cast %broadcast_in_dim3A : vector<1x64xf32> to vector<1x64xf32>
      %broadcast_in_dim3A_65 = vector.broadcast %broadcast_in_dim3A_64 : vector<1x64xf32> to vector<8x64xf32>
      %swap3A_66 = arith.constant 0 : index
      %swap3A_67 = arith.constant 0 : index
      %swap3A_68 = vector.load %arg17[%swap3A_66, %swap3A_67] : memref<8x64xf32, #tpu.memory_space<vmem>>, vector<8x64xf32>
      tpu.vector_store %arg17[%swap3A_66, %swap3A_67], %broadcast_in_dim3A_65 {strides = array<i32>} : memref<8x64xf32, #tpu.memory_space<vmem>>, vector<8x64xf32>,
      %swap3A_69 = arith.constant 0.000000e+00 : f32
      %swap3A_70 = arith.constant 0 : index
      %swap3A_71 = memref.load %arg16[%swap3A_70] : memref<8xf32, #tpu.memory_space<smem>>
      memref.store %swap3A_69, %arg16[%swap3A_70] : memref<8xf32, #tpu.memory_space<smem>>
      %swap3A_72 = arith.constant 0.000000e+00 : f32
      %swap3A_73 = arith.constant 1 : index
      %swap3A_74 = memref.load %arg16[%swap3A_73] : memref<8xf32, #tpu.memory_space<smem>>
      memref.store %swap3A_72, %arg16[%swap3A_73] : memref<8xf32, #tpu.memory_space<smem>>
      %get3A_75 = arith.constant 0 : index
      %get3A_76 = arith.constant 0 : index
      %get3A_77 = vector.load %arg4[%get3A_75, %get3A_76] : memref<1x1280xi32, #tpu.memory_space<vmem>>, vector<1x1280xi32>
      %broadcast_in_dim3A_78 = arith.constant 0.000000e+00 : f32
      %broadcast_in_dim3A_79 = vector.broadcast %broadcast_in_dim3A_78 : f32 to vector<1x1280xf32>
      %slice3A = vector.extract_strided_slice %get3A_56 {offsets = [0, 0], sizes = [256, 1], strides = [1, 1]} : vector<1280x1xi32> to vector<256x1xi32>
      %eq3A_80 = vector.broadcast %slice3A : vector<256x1xi32> to vector<256x1280xi32>
      %eq3A_81 = vector.broadcast %get3A_77 : vector<1x1280xi32> to vector<256x1280xi32>
      %eq3A_82 = arith.cmpi eq, %eq3A_80, %eq3A_81 : vector<256x1280xi32>
      %iota3A_83 = tpu.iota {dimensions = array<i32: 0>} : vector<256x1280xi32>
      %add3A_84 = arith.constant 0 : i32
      %add3A_85 = vector.broadcast %add3A_84 : i32 to vector<256x1280xi32>
      %add3A_86 = arith.addi %add3A_85, %iota3A_83 : vector<256x1280xi32>
      %iota3A_87 = tpu.iota {dimensions = array<i32: 1>} : vector<256x1280xi32>
      %lt3A_88 = arith.cmpi slt, %add3A_86, %iota3A_87 : vector<256x1280xi32>
      %and3A_89 = arith.andi %eq3A_82, %lt3A_88 : vector<256x1280xi1>
      %convert_element_type3A_90 = arith.extui %and3A_89 : vector<256x1280xi1> to vector<256x1280xi32>
      %convert_element_type3A_91 = arith.sitofp %convert_element_type3A_90 : vector<256x1280xi32> to vector<256x1280xf32>
      %reduce_sum3A_92 = arith.constant dense<0.000000e+00> : vector<1280xf32>
      %reduce_sum3A_93 = vector.multi_reduction <add>, %convert_element_type3A_91, %reduce_sum3A_92 [0] : vector<256x1280xf32> to vector<1280xf32>
      %broadcast_in_dim3A_94 = vector.shape_cast %reduce_sum3A_93 : vector<1280xf32> to vector<1x1280xf32>
      %add3A_95 = arith.addf %broadcast_in_dim3A_79, %broadcast_in_dim3A_94 : vector<1x1280xf32>
      %slice3A_96 = vector.extract_strided_slice %get3A_56 {offsets = [256, 0], sizes = [256, 1], strides = [1, 1]} : vector<1280x1xi32> to vector<256x1xi32>
      %eq3A_97 = vector.broadcast %slice3A_96 : vector<256x1xi32> to vector<256x1280xi32>
      %eq3A_98 = vector.broadcast %get3A_77 : vector<1x1280xi32> to vector<256x1280xi32>
      %eq3A_99 = arith.cmpi eq, %eq3A_97, %eq3A_98 : vector<256x1280xi32>
      %iota3A_100 = tpu.iota {dimensions = array<i32: 0>} : vector<256x1280xi32>
      %add3A_101 = arith.constant 256 : i32
      %add3A_102 = vector.broadcast %add3A_101 : i32 to vector<256x1280xi32>
      %add3A_103 = arith.addi %add3A_102, %iota3A_100 : vector<256x1280xi32>
      %iota3A_104 = tpu.iota {dimensions = array<i32: 1>} : vector<256x1280xi32>
      %lt3A_105 = arith.cmpi slt, %add3A_103, %iota3A_104 : vector<256x1280xi32>
      %and3A_106 = arith.andi %eq3A_99, %lt3A_105 : vector<256x1280xi1>
      %convert_element_type3A_107 = arith.extui %and3A_106 : vector<256x1280xi1> to vector<256x1280xi32>
      %convert_element_type3A_108 = arith.sitofp %convert_element_type3A_107 : vector<256x1280xi32> to vector<256x1280xf32>
      %reduce_sum3A_109 = arith.constant dense<0.000000e+00> : vector<1280xf32>
      %reduce_sum3A_110 = vector.multi_reduction <add>, %convert_element_type3A_108, %reduce_sum3A_109 [0] : vector<256x1280xf32> to vector<1280xf32>
      %broadcast_in_dim3A_111 = vector.shape_cast %reduce_sum3A_110 : vector<1280xf32> to vector<1x1280xf32>
      %add3A_112 = arith.addf %add3A_95, %broadcast_in_dim3A_111 : vector<1x1280xf32>
      %slice3A_113 = vector.extract_strided_slice %get3A_56 {offsets = [512, 0], sizes = [256, 1], strides = [1, 1]} : vector<1280x1xi32> to vector<256x1xi32>
      %eq3A_114 = vector.broadcast %slice3A_113 : vector<256x1xi32> to vector<256x1280xi32>
      %eq3A_115 = vector.broadcast %get3A_77 : vector<1x1280xi32> to vector<256x1280xi32>
      %eq3A_116 = arith.cmpi eq, %eq3A_114, %eq3A_115 : vector<256x1280xi32>
      %iota3A_117 = tpu.iota {dimensions = array<i32: 0>} : vector<256x1280xi32>
      %add3A_118 = arith.constant 512 : i32
      %add3A_119 = vector.broadcast %add3A_118 : i32 to vector<256x1280xi32>
      %add3A_120 = arith.addi %add3A_119, %iota3A_117 : vector<256x1280xi32>
      %iota3A_121 = tpu.iota {dimensions = array<i32: 1>} : vector<256x1280xi32>
      %lt3A_122 = arith.cmpi slt, %add3A_120, %iota3A_121 : vector<256x1280xi32>
      %and3A_123 = arith.andi %eq3A_116, %lt3A_122 : vector<256x1280xi1>
      %convert_element_type3A_124 = arith.extui %and3A_123 : vector<256x1280xi1> to vector<256x1280xi32>
      %convert_element_type3A_125 = arith.sitofp %convert_element_type3A_124 : vector<256x1280xi32> to vector<256x1280xf32>
      %reduce_sum3A_126 = arith.constant dense<0.000000e+00> : vector<1280xf32>
      %reduce_sum3A_127 = vector.multi_reduction <add>, %convert_element_type3A_125, %reduce_sum3A_126 [0] : vector<256x1280xf32> to vector<1280xf32>
      %broadcast_in_dim3A_128 = vector.shape_cast %reduce_sum3A_127 : vector<1280xf32> to vector<1x1280xf32>
      %add3A_129 = arith.addf %add3A_112, %broadcast_in_dim3A_128 : vector<1x1280xf32>
      %slice3A_130 = vector.extract_strided_slice %get3A_56 {offsets = [768, 0], sizes = [256, 1], strides = [1, 1]} : vector<1280x1xi32> to vector<256x1xi32>
      %eq3A_131 = vector.broadcast %slice3A_130 : vector<256x1xi32> to vector<256x1280xi32>
      %eq3A_132 = vector.broadcast %get3A_77 : vector<1x1280xi32> to vector<256x1280xi32>
      %eq3A_133 = arith.cmpi eq, %eq3A_131, %eq3A_132 : vector<256x1280xi32>
      %iota3A_134 = tpu.iota {dimensions = array<i32: 0>} : vector<256x1280xi32>
      %add3A_135 = arith.constant 768 : i32
      %add3A_136 = vector.broadcast %add3A_135 : i32 to vector<256x1280xi32>
      %add3A_137 = arith.addi %add3A_136, %iota3A_134 : vector<256x1280xi32>
      %iota3A_138 = tpu.iota {dimensions = array<i32: 1>} : vector<256x1280xi32>
      %lt3A_139 = arith.cmpi slt, %add3A_137, %iota3A_138 : vector<256x1280xi32>
      %and3A_140 = arith.andi %eq3A_133, %lt3A_139 : vector<256x1280xi1>
      %convert_element_type3A_141 = arith.extui %and3A_140 : vector<256x1280xi1> to vector<256x1280xi32>
      %convert_element_type3A_142 = arith.sitofp %convert_element_type3A_141 : vector<256x1280xi32> to vector<256x1280xf32>
      %reduce_sum3A_143 = arith.constant dense<0.000000e+00> : vector<1280xf32>
      %reduce_sum3A_144 = vector.multi_reduction <add>, %convert_element_type3A_142, %reduce_sum3A_143 [0] : vector<256x1280xf32> to vector<1280xf32>
      %broadcast_in_dim3A_145 = vector.shape_cast %reduce_sum3A_144 : vector<1280xf32> to vector<1x1280xf32>
      %add3A_146 = arith.addf %add3A_129, %broadcast_in_dim3A_145 : vector<1x1280xf32>
      %slice3A_147 = vector.extract_strided_slice %get3A_56 {offsets = [1024, 0], sizes = [256, 1], strides = [1, 1]} : vector<1280x1xi32> to vector<256x1xi32>
      %eq3A_148 = vector.broadcast %slice3A_147 : vector<256x1xi32> to vector<256x1280xi32>
      %eq3A_149 = vector.broadcast %get3A_77 : vector<1x1280xi32> to vector<256x1280xi32>
      %eq3A_150 = arith.cmpi eq, %eq3A_148, %eq3A_149 : vector<256x1280xi32>
      %iota3A_151 = tpu.iota {dimensions = array<i32: 0>} : vector<256x1280xi32>
      %add3A_152 = arith.constant 1024 : i32
      %add3A_153 = vector.broadcast %add3A_152 : i32 to vector<256x1280xi32>
      %add3A_154 = arith.addi %add3A_153, %iota3A_151 : vector<256x1280xi32>
      %iota3A_155 = tpu.iota {dimensions = array<i32: 1>} : vector<256x1280xi32>
      %lt3A_156 = arith.cmpi slt, %add3A_154, %iota3A_155 : vector<256x1280xi32>
      %and3A_157 = arith.andi %eq3A_150, %lt3A_156 : vector<256x1280xi1>
      %convert_element_type3A_158 = arith.extui %and3A_157 : vector<256x1280xi1> to vector<256x1280xi32>
      %convert_element_type3A_159 = arith.sitofp %convert_element_type3A_158 : vector<256x1280xi32> to vector<256x1280xf32>
      %reduce_sum3A_160 = arith.constant dense<0.000000e+00> : vector<1280xf32>
      %reduce_sum3A_161 = vector.multi_reduction <add>, %convert_element_type3A_159, %reduce_sum3A_160 [0] : vector<256x1280xf32> to vector<1280xf32>
      %broadcast_in_dim3A_162 = vector.shape_cast %reduce_sum3A_161 : vector<1280xf32> to vector<1x1280xf32>
      %add3A_163 = arith.addf %add3A_146, %broadcast_in_dim3A_162 : vector<1x1280xf32>
      %lt3A_164 = arith.constant 3.200000e+01 : f32
      %lt3A_165 = vector.broadcast %lt3A_164 : f32 to vector<1x1280xf32>
      %lt3A_166 = arith.cmpf olt, %add3A_163, %lt3A_165 : vector<1x1280xf32>
      %min3A = arith.constant 3.100000e+01 : f32
      %min3A_167 = vector.broadcast %min3A : f32 to vector<1x1280xf32>
      %min3A_168 = arith.minimumf %add3A_163, %min3A_167 : vector<1x1280xf32>
      %mul3A_169 = arith.constant 6.400000e+01 : f32
      %mul3A_170 = vector.broadcast %mul3A_169 : f32 to vector<1x1280xf32>
      %mul3A_171 = arith.mulf %min3A_168, %mul3A_170 : vector<1x1280xf32>
      %convert_element_type3A_172 = arith.sitofp %get3A_77 : vector<1x1280xi32> to vector<1x1280xf32>
      %add3A_173 = arith.addf %mul3A_171, %convert_element_type3A_172 : vector<1x1280xf32>
      %get3A_174 = arith.constant 0 : index
      %get3A_175 = arith.constant 0 : index
      %get3A_176 = vector.load %arg6[%get3A_174, %get3A_175] : memref<1280x3xf32, #tpu.memory_space<vmem>>, vector<1280x3xf32>
      %mul3A_177 = arith.mulf %get3A_176, %get3A_176 : vector<1280x3xf32>
      %reduce_sum3A_178 = arith.constant dense<0.000000e+00> : vector<1280xf32>
      %reduce_sum3A_179 = vector.multi_reduction <add>, %mul3A_177, %reduce_sum3A_178 [1] : vector<1280x3xf32> to vector<1280xf32>
      %broadcast_in_dim3A_180 = vector.shape_cast %reduce_sum3A_179 : vector<1280xf32> to vector<1280x1xf32>
      %sqrt3A = math.sqrt %broadcast_in_dim3A_180 : vector<1280x1xf32>
      %max3A = arith.constant 9.99999993E-9 : f32
      %max3A_181 = vector.broadcast %max3A : f32 to vector<1280x1xf32>
      %max3A_182 = arith.maximumf %sqrt3A, %max3A_181 : vector<1280x1xf32>
      %div3A = vector.broadcast %max3A_182 : vector<1280x1xf32> to vector<1280x3xf32>
      %div3A_183 = arith.divf %get3A_176, %div3A : vector<1280x3xf32>
      %get3A_184 = arith.constant 0 : index
      %get3A_185 = arith.constant 0 : index
      %get3A_186 = vector.load %arg8[%get3A_184, %get3A_185] : memref<1280x5xf32, #tpu.memory_space<vmem>>, vector<1280x5xf32>
      %reduce_max3A = arith.constant dense<0xFF800000> : vector<1280xf32>
      %reduce_max3A_187 = vector.multi_reduction <maximumf>, %get3A_186, %reduce_max3A [1] : vector<1280x5xf32> to vector<1280xf32>
      %broadcast_in_dim3A_188 = vector.shape_cast %reduce_max3A_187 : vector<1280xf32> to vector<1280x1xf32>
      %iota3A_189 = tpu.iota {dimensions = array<i32: 1>} : vector<1280x5xi32>
      %eq3A_190 = vector.broadcast %broadcast_in_dim3A_188 : vector<1280x1xf32> to vector<1280x5xf32>
      %eq3A_191 = arith.cmpf oeq, %get3A_186, %eq3A_190 : vector<1280x5xf32>
      %jit3A = arith.constant 5 : i32
      %broadcast_in_dim3A_192 = vector.broadcast %jit3A : i32 to vector<1280x5xi32>
      %select_n3A = arith.select %eq3A_191, %iota3A_189, %broadcast_in_dim3A_192 : vector<1280x5xi1>, vector<1280x5xi32>
      %reduce_min3A = arith.constant dense<2147483647> : vector<1280xi32>
      %reduce_min3A_193 = vector.multi_reduction <minsi>, %select_n3A, %reduce_min3A [1] : vector<1280x5xi32> to vector<1280xi32>
      %broadcast_in_dim3A_194 = vector.shape_cast %reduce_min3A_193 : vector<1280xi32> to vector<1280x1xi32>
      %eq3A_195 = vector.broadcast %broadcast_in_dim3A_194 : vector<1280x1xi32> to vector<1280x5xi32>
      %eq3A_196 = arith.cmpi eq, %iota3A_189, %eq3A_195 : vector<1280x5xi32>
      %convert_element_type3A_197 = arith.extui %eq3A_196 : vector<1280x5xi1> to vector<1280x5xi32>
      %convert_element_type3A_198 = arith.sitofp %convert_element_type3A_197 : vector<1280x5xi32> to vector<1280x5xf32>
      %get3A_199 = arith.constant 0 : index
      %get3A_200 = arith.constant 0 : index
      %get3A_201 = vector.load %arg7[%get3A_199, %get3A_200] : memref<1280x1xf32, #tpu.memory_space<vmem>>, vector<1280x1xf32>
      %get3A_202 = arith.constant 0 : index
      %get3A_203 = arith.constant 0 : index
      %get3A_204 = vector.load %arg9[%get3A_202, %get3A_203] : memref<1280x1xf32, #tpu.memory_space<vmem>>, vector<1280x1xf32>
      %concatenate3A = tpu.concatenate %div3A_183, %get3A_201, %convert_element_type3A_198, %get3A_204 in 1 : vector<1280x3xf32>, vector<1280x1xf32>, vector<1280x5xf32>, vector<1280x1xf32> -> vector<1280x10xf32>
      %iota3A_205 = tpu.iota {dimensions = array<i32: 0>} : vector<64x1280xi32>
      %eq3A_206 = vector.broadcast %get3A_77 : vector<1x1280xi32> to vector<64x1280xi32>
      %eq3A_207 = arith.cmpi eq, %iota3A_205, %eq3A_206 : vector<64x1280xi32>
      %convert_element_type3A_208 = arith.extui %eq3A_207 : vector<64x1280xi1> to vector<64x1280xi32>
      %convert_element_type3A_209 = arith.sitofp %convert_element_type3A_208 : vector<64x1280xi32> to vector<64x1280xf32>
      %reduce_sum3A_210 = arith.constant dense<0.000000e+00> : vector<64xf32>
      %reduce_sum3A_211 = vector.multi_reduction <add>, %convert_element_type3A_209, %reduce_sum3A_210 [1] : vector<64x1280xf32> to vector<64xf32>
      %broadcast_in_dim3A_212 = vector.shape_cast %reduce_sum3A_211 : vector<64xf32> to vector<64x1xf32>
      %iota3A_213 = tpu.iota {dimensions = array<i32: 0>} : vector<256x1280xi32>
      %add3A_214 = arith.constant 0 : i32
      %add3A_215 = vector.broadcast %add3A_214 : i32 to vector<256x1280xi32>
      %add3A_216 = arith.addi %add3A_215, %iota3A_213 : vector<256x1280xi32>
      %convert_element_type3A_217 = arith.sitofp %add3A_216 : vector<256x1280xi32> to vector<256x1280xf32>
      %eq3A_218 = vector.broadcast %add3A_173 : vector<1x1280xf32> to vector<256x1280xf32>
      %eq3A_219 = arith.cmpf oeq, %convert_element_type3A_217, %eq3A_218 : vector<256x1280xf32>
      %and3A_220 = vector.broadcast %lt3A_166 : vector<1x1280xi1> to vector<256x1280xi1>
      %and3A_221 = arith.andi %eq3A_219, %and3A_220 : vector<256x1280xi1>
      %convert_element_type3A_222 = arith.extui %and3A_221 : vector<256x1280xi1> to vector<256x1280xi32>
      %convert_element_type3A_223 = arith.sitofp %convert_element_type3A_222 : vector<256x1280xi32> to vector<256x1280xf32>
      %dot_general3A_224 = arith.constant dense<0.000000e+00> : vector<256x10xf32>
      %dot_general3A_225 = tpu.matmul %convert_element_type3A_223, %concatenate3A, %dot_general3A_224 {dimension_numbers = #tpu.dot_dimension_numbers<[1], [0], [0], [1], [0, 0, 1, 1], [], []>, transpose_lhs_hint = false} : vector<256x1280xf32>, vector<1280x10xf32>, vector<256x10xf32> -> vector<256x10xf32>
      %iota3A_226 = tpu.iota {dimensions = array<i32: 0>} : vector<256x1xi32>
      %add3A_227 = arith.constant 0 : i32
      %add3A_228 = vector.broadcast %add3A_227 : i32 to vector<256x1xi32>
      %add3A_229 = arith.addi %add3A_228, %iota3A_226 : vector<256x1xi32>
      %shift_right_logical3A = arith.constant 6 : i32
      %shift_right_logical3A_230 = vector.broadcast %shift_right_logical3A : i32 to vector<256x1xi32>
      %shift_right_logical3A_231 = arith.shrui %add3A_229, %shift_right_logical3A_230 : vector<256x1xi32>
      %convert_element_type3A_232 = arith.sitofp %shift_right_logical3A_231 : vector<256x1xi32> to vector<256x1xf32>
      %iota3A_233 = tpu.iota {dimensions = array<i32: 1>} : vector<256x64xi32>
      %and3A_234 = arith.constant 63 : i32
      %and3A_235 = vector.broadcast %and3A_234 : i32 to vector<256x1xi32>
      %and3A_236 = arith.andi %add3A_229, %and3A_235 : vector<256x1xi32>
      %eq3A_237 = vector.broadcast %and3A_236 : vector<256x1xi32> to vector<256x64xi32>
      %eq3A_238 = arith.cmpi eq, %iota3A_233, %eq3A_237 : vector<256x64xi32>
      %convert_element_type3A_239 = arith.extui %eq3A_238 : vector<256x64xi1> to vector<256x64xi32>
      %convert_element_type3A_240 = arith.sitofp %convert_element_type3A_239 : vector<256x64xi32> to vector<256x64xf32>
      %dot_general3A_241 = arith.constant dense<0.000000e+00> : vector<256x1xf32>
      %dot_general3A_242 = tpu.matmul %convert_element_type3A_240, %broadcast_in_dim3A_212, %dot_general3A_241 {dimension_numbers = #tpu.dot_dimension_numbers<[1], [0], [0], [1], [0, 0, 1, 1], [], []>, transpose_lhs_hint = false} : vector<256x64xf32>, vector<64x1xf32>, vector<256x1xf32> -> vector<256x1xf32>
      %lt3A_243 = arith.cmpf olt, %convert_element_type3A_232, %dot_general3A_242 : vector<256x1xf32>
      %convert_element_type3A_244 = arith.extui %lt3A_243 : vector<256x1xi1> to vector<256x1xi32>
      %convert_element_type3A_245 = arith.sitofp %convert_element_type3A_244 : vector<256x1xi32> to vector<256x1xf32>
      %reduce_sum3A_246 = vector.shape_cast %convert_element_type3A_245 : vector<256x1xf32> to vector<1x256x1xf32>
      %reduce_sum3A_247 = arith.constant dense<0.000000e+00> : vector<1xf32>
      %reduce_sum3A_248 = vector.multi_reduction <add>, %reduce_sum3A_246, %reduce_sum3A_247 [1, 2] : vector<1x256x1xf32> to vector<1xf32>
      %reduce_sum3A_249 = vector.shape_cast %reduce_sum3A_248 : vector<1xf32> to vector<1x1x1xf32>
      %reduce_sum3A_250 = vector.extract %reduce_sum3A_249[0, 0, 0] : f32 from vector<1x1x1xf32>
      %add3A_251 = arith.constant 0.000000e+00 : f32
      %add3A_252 = arith.addf %add3A_251, %reduce_sum3A_250 : f32
      %get3A_253 = arith.constant 0 : index
      %get3A_254 = arith.constant 0 : index
      %get3A_255 = vector.load %arg10[%get3A_253, %get3A_254] : memref<2048x3xf32, #tpu.memory_space<vmem>>, vector<256x3xf32>
      %mul3A_256 = arith.mulf %get3A_255, %get3A_255 : vector<256x3xf32>
      %reduce_sum3A_257 = arith.constant dense<0.000000e+00> : vector<256xf32>
      %reduce_sum3A_258 = vector.multi_reduction <add>, %mul3A_256, %reduce_sum3A_257 [1] : vector<256x3xf32> to vector<256xf32>
      %broadcast_in_dim3A_259 = vector.shape_cast %reduce_sum3A_258 : vector<256xf32> to vector<256x1xf32>
      %sqrt3A_260 = math.sqrt %broadcast_in_dim3A_259 : vector<256x1xf32>
      %max3A_261 = arith.constant 9.99999993E-9 : f32
      %max3A_262 = vector.broadcast %max3A_261 : f32 to vector<256x1xf32>
      %max3A_263 = arith.maximumf %sqrt3A_260, %max3A_262 : vector<256x1xf32>
      %div3A_264 = vector.broadcast %max3A_263 : vector<256x1xf32> to vector<256x3xf32>
      %div3A_265 = arith.divf %get3A_255, %div3A_264 : vector<256x3xf32>
      %slice3A_266 = vector.extract_strided_slice %dot_general3A_225 {offsets = [0, 0], sizes = [256, 3], strides = [1, 1]} : vector<256x10xf32> to vector<256x3xf32>
      %mul3A_267 = arith.mulf %div3A_265, %slice3A_266 : vector<256x3xf32>
      %reduce_sum3A_268 = arith.constant dense<0.000000e+00> : vector<256xf32>
      %reduce_sum3A_269 = vector.multi_reduction <add>, %mul3A_267, %reduce_sum3A_268 [1] : vector<256x3xf32> to vector<256xf32>
      %broadcast_in_dim3A_270 = vector.shape_cast %reduce_sum3A_269 : vector<256xf32> to vector<256x1xf32>
      %sub3A = arith.constant 1.000000e+00 : f32
      %sub3A_271 = vector.broadcast %sub3A : f32 to vector<256x1xf32>
      %sub3A_272 = arith.subf %sub3A_271, %broadcast_in_dim3A_270 : vector<256x1xf32>
      %mul3A_273 = arith.mulf %sub3A_272, %convert_element_type3A_245 : vector<256x1xf32>
      %reduce_sum3A_274 = vector.shape_cast %mul3A_273 : vector<256x1xf32> to vector<1x256x1xf32>
      %reduce_sum3A_275 = arith.constant dense<0.000000e+00> : vector<1xf32>
      %reduce_sum3A_276 = vector.multi_reduction <add>, %reduce_sum3A_274, %reduce_sum3A_275 [1, 2] : vector<1x256x1xf32> to vector<1xf32>
      %reduce_sum3A_277 = vector.shape_cast %reduce_sum3A_276 : vector<1xf32> to vector<1x1x1xf32>
      %reduce_sum3A_278 = vector.extract %reduce_sum3A_277[0, 0, 0] : f32 from vector<1x1x1xf32>
      %add3A_279 = arith.constant 0.000000e+00 : f32
      %add3A_280 = arith.addf %add3A_279, %reduce_sum3A_278 : f32
      %get3A_281 = arith.constant 0 : index
      %get3A_282 = arith.constant 0 : index
      %get3A_283 = vector.load %arg11[%get3A_281, %get3A_282] : memref<2048x1xf32, #tpu.memory_space<vmem>>, vector<256x1xf32>
      %slice3A_284 = vector.extract_strided_slice %dot_general3A_225 {offsets = [0, 3], sizes = [256, 1], strides = [1, 1]} : vector<256x10xf32> to vector<256x1xf32>
      %sub3A_285 = arith.subf %get3A_283, %slice3A_284 : vector<256x1xf32>
      %mul3A_286 = arith.mulf %sub3A_285, %sub3A_285 : vector<256x1xf32>
      %mul3A_287 = arith.mulf %mul3A_286, %convert_element_type3A_245 : vector<256x1xf32>
      %reduce_sum3A_288 = vector.shape_cast %mul3A_287 : vector<256x1xf32> to vector<1x256x1xf32>
      %reduce_sum3A_289 = arith.constant dense<0.000000e+00> : vector<1xf32>
      %reduce_sum3A_290 = vector.multi_reduction <add>, %reduce_sum3A_288, %reduce_sum3A_289 [1, 2] : vector<1x256x1xf32> to vector<1xf32>
      %reduce_sum3A_291 = vector.shape_cast %reduce_sum3A_290 : vector<1xf32> to vector<1x1x1xf32>
      %reduce_sum3A_292 = vector.extract %reduce_sum3A_291[0, 0, 0] : f32 from vector<1x1x1xf32>
      %add3A_293 = arith.constant 0.000000e+00 : f32
      %add3A_294 = arith.addf %add3A_293, %reduce_sum3A_292 : f32
      %get3A_295 = arith.constant 0 : index
      %get3A_296 = arith.constant 0 : index
      %get3A_297 = vector.load %arg12[%get3A_295, %get3A_296] : memref<2048x5xf32, #tpu.memory_space<vmem>>, vector<256x5xf32>
      %reduce_max3A_298 = arith.constant dense<0xFF800000> : vector<256xf32>
      %reduce_max3A_299 = vector.multi_reduction <maximumf>, %get3A_297, %reduce_max3A_298 [1] : vector<256x5xf32> to vector<256xf32>
      %broadcast_in_dim3A_300 = vector.shape_cast %reduce_max3A_299 : vector<256xf32> to vector<256x1xf32>
      %sub3A_301 = vector.broadcast %broadcast_in_dim3A_300 : vector<256x1xf32> to vector<256x5xf32>
      %sub3A_302 = arith.subf %get3A_297, %sub3A_301 : vector<256x5xf32>
      %exp3A = math.exp %sub3A_302 : vector<256x5xf32>
      %reduce_sum3A_303 = arith.constant dense<0.000000e+00> : vector<256xf32>
      %reduce_sum3A_304 = vector.multi_reduction <add>, %exp3A, %reduce_sum3A_303 [1] : vector<256x5xf32> to vector<256xf32>
      %broadcast_in_dim3A_305 = vector.shape_cast %reduce_sum3A_304 : vector<256xf32> to vector<256x1xf32>
      %log3A = math.log %broadcast_in_dim3A_305 : vector<256x1xf32>
      %add3A_306 = arith.addf %broadcast_in_dim3A_300, %log3A : vector<256x1xf32>
      %sub3A_307 = vector.broadcast %add3A_306 : vector<256x1xf32> to vector<256x5xf32>
      %sub3A_308 = arith.subf %get3A_297, %sub3A_307 : vector<256x5xf32>
      %slice3A_309 = vector.extract_strided_slice %dot_general3A_225 {offsets = [0, 4], sizes = [256, 5], strides = [1, 1]} : vector<256x10xf32> to vector<256x5xf32>
      %mul3A_310 = arith.mulf %sub3A_308, %slice3A_309 : vector<256x5xf32>
      %reduce_sum3A_311 = arith.constant dense<0.000000e+00> : vector<256xf32>
      %reduce_sum3A_312 = vector.multi_reduction <add>, %mul3A_310, %reduce_sum3A_311 [1] : vector<256x5xf32> to vector<256xf32>
      %broadcast_in_dim3A_313 = vector.shape_cast %reduce_sum3A_312 : vector<256xf32> to vector<256x1xf32>
      %neg3A = arith.constant 0.000000e+00 : f32
      %neg3A_314 = vector.broadcast %neg3A : f32 to vector<256x1xf32>
      %neg3A_315 = arith.subf %neg3A_314, %broadcast_in_dim3A_313 : vector<256x1xf32>
      %mul3A_316 = arith.mulf %neg3A_315, %convert_element_type3A_245 : vector<256x1xf32>
      %reduce_sum3A_317 = vector.shape_cast %mul3A_316 : vector<256x1xf32> to vector<1x256x1xf32>
      %reduce_sum3A_318 = arith.constant dense<0.000000e+00> : vector<1xf32>
      %reduce_sum3A_319 = vector.multi_reduction <add>, %reduce_sum3A_317, %reduce_sum3A_318 [1, 2] : vector<1x256x1xf32> to vector<1xf32>
      %reduce_sum3A_320 = vector.shape_cast %reduce_sum3A_319 : vector<1xf32> to vector<1x1x1xf32>
      %reduce_sum3A_321 = vector.extract %reduce_sum3A_320[0, 0, 0] : f32 from vector<1x1x1xf32>
      %add3A_322 = arith.constant 0.000000e+00 : f32
      %add3A_323 = arith.addf %add3A_322, %reduce_sum3A_321 : f32
      %get3A_324 = arith.constant 0 : index
      %get3A_325 = arith.constant 0 : index
      %get3A_326 = vector.load %arg13[%get3A_324, %get3A_325] : memref<2048x1xf32, #tpu.memory_space<vmem>>, vector<256x1xf32>
      %slice3A_327 = vector.extract_strided_slice %dot_general3A_225 {offsets = [0, 9], sizes = [256, 1], strides = [1, 1]} : vector<256x10xf32> to vector<256x1xf32>
      %sub3A_328 = arith.subf %get3A_326, %slice3A_327 : vector<256x1xf32>
      %mul3A_329 = arith.mulf %sub3A_328, %sub3A_328 : vector<256x1xf32>
      %mul3A_330 = arith.mulf %mul3A_329, %convert_element_type3A_245 : vector<256x1xf32>
      %reduce_sum3A_331 = vector.shape_cast %mul3A_330 : vector<256x1xf32> to vector<1x256x1xf32>
      %reduce_sum3A_332 = arith.constant dense<0.000000e+00> : vector<1xf32>
      %reduce_sum3A_333 = vector.multi_reduction <add>, %reduce_sum3A_331, %reduce_sum3A_332 [1, 2] : vector<1x256x1xf32> to vector<1xf32>
      %reduce_sum3A_334 = vector.shape_cast %reduce_sum3A_333 : vector<1xf32> to vector<1x1x1xf32>
      %reduce_sum3A_335 = vector.extract %reduce_sum3A_334[0, 0, 0] : f32 from vector<1x1x1xf32>
      %add3A_336 = arith.constant 0.000000e+00 : f32
      %add3A_337 = arith.addf %add3A_336, %reduce_sum3A_335 : f32
      %get3A_338 = arith.constant 0 : index
      %get3A_339 = arith.constant 0 : index
      %get3A_340 = vector.load %arg14[%get3A_338, %get3A_339] : memref<2048x1xf32, #tpu.memory_space<vmem>>, vector<256x1xf32>
      %sub3A_341 = arith.constant 1.000000e+00 : f32
      %sub3A_342 = vector.broadcast %sub3A_341 : f32 to vector<256x1xf32>
      %sub3A_343 = arith.subf %sub3A_342, %convert_element_type3A_245 : vector<256x1xf32>
      %max3A_344 = arith.constant 0.000000e+00 : f32
      %max3A_345 = vector.broadcast %max3A_344 : f32 to vector<256x1xf32>
      %max3A_346 = arith.maximumf %get3A_340, %max3A_345 : vector<256x1xf32>
      %mul3A_347 = arith.mulf %get3A_340, %sub3A_343 : vector<256x1xf32>
      %sub3A_348 = arith.subf %max3A_346, %mul3A_347 : vector<256x1xf32>
      %abs3A = math.absf %get3A_340 : vector<256x1xf32>
      %neg3A_349 = arith.constant 0.000000e+00 : f32
      %neg3A_350 = vector.broadcast %neg3A_349 : f32 to vector<256x1xf32>
      %neg3A_351 = arith.subf %neg3A_350, %abs3A : vector<256x1xf32>
      %exp3A_352 = math.exp %neg3A_351 : vector<256x1xf32>
      %log1p3A = math.log1p %exp3A_352 : vector<256x1xf32>
      %add3A_353 = arith.addf %sub3A_348, %log1p3A : vector<256x1xf32>
      %reduce_sum3A_354 = vector.shape_cast %add3A_353 : vector<256x1xf32> to vector<1x256x1xf32>
      %reduce_sum3A_355 = arith.constant dense<0.000000e+00> : vector<1xf32>
      %reduce_sum3A_356 = vector.multi_reduction <add>, %reduce_sum3A_354, %reduce_sum3A_355 [1, 2] : vector<1x256x1xf32> to vector<1xf32>
      %reduce_sum3A_357 = vector.shape_cast %reduce_sum3A_356 : vector<1xf32> to vector<1x1x1xf32>
      %reduce_sum3A_358 = vector.extract %reduce_sum3A_357[0, 0, 0] : f32 from vector<1x1x1xf32>
      %add3A_359 = arith.constant 0.000000e+00 : f32
      %add3A_360 = arith.addf %add3A_359, %reduce_sum3A_358 : f32
      %iota3A_361 = tpu.iota {dimensions = array<i32: 0>} : vector<256x1280xi32>
      %add3A_362 = arith.constant 256 : i32
      %add3A_363 = vector.broadcast %add3A_362 : i32 to vector<256x1280xi32>
      %add3A_364 = arith.addi %add3A_363, %iota3A_361 : vector<256x1280xi32>
      %convert_element_type3A_365 = arith.sitofp %add3A_364 : vector<256x1280xi32> to vector<256x1280xf32>
      %eq3A_366 = vector.broadcast %add3A_173 : vector<1x1280xf32> to vector<256x1280xf32>
      %eq3A_367 = arith.cmpf oeq, %convert_element_type3A_365, %eq3A_366 : vector<256x1280xf32>
      %and3A_368 = vector.broadcast %lt3A_166 : vector<1x1280xi1> to vector<256x1280xi1>
      %and3A_369 = arith.andi %eq3A_367, %and3A_368 : vector<256x1280xi1>
      %convert_element_type3A_370 = arith.extui %and3A_369 : vector<256x1280xi1> to vector<256x1280xi32>
      %convert_element_type3A_371 = arith.sitofp %convert_element_type3A_370 : vector<256x1280xi32> to vector<256x1280xf32>
      %dot_general3A_372 = arith.constant dense<0.000000e+00> : vector<256x10xf32>
      %dot_general3A_373 = tpu.matmul %convert_element_type3A_371, %concatenate3A, %dot_general3A_372 {dimension_numbers = #tpu.dot_dimension_numbers<[1], [0], [0], [1], [0, 0, 1, 1], [], []>, transpose_lhs_hint = false} : vector<256x1280xf32>, vector<1280x10xf32>, vector<256x10xf32> -> vector<256x10xf32>
      %iota3A_374 = tpu.iota {dimensions = array<i32: 0>} : vector<256x1xi32>
      %add3A_375 = arith.constant 256 : i32
      %add3A_376 = vector.broadcast %add3A_375 : i32 to vector<256x1xi32>
      %add3A_377 = arith.addi %add3A_376, %iota3A_374 : vector<256x1xi32>
      %shift_right_logical3A_378 = arith.constant 6 : i32
      %shift_right_logical3A_379 = vector.broadcast %shift_right_logical3A_378 : i32 to vector<256x1xi32>
      %shift_right_logical3A_380 = arith.shrui %add3A_377, %shift_right_logical3A_379 : vector<256x1xi32>
      %convert_element_type3A_381 = arith.sitofp %shift_right_logical3A_380 : vector<256x1xi32> to vector<256x1xf32>
      %iota3A_382 = tpu.iota {dimensions = array<i32: 1>} : vector<256x64xi32>
      %and3A_383 = arith.constant 63 : i32
      %and3A_384 = vector.broadcast %and3A_383 : i32 to vector<256x1xi32>
      %and3A_385 = arith.andi %add3A_377, %and3A_384 : vector<256x1xi32>
      %eq3A_386 = vector.broadcast %and3A_385 : vector<256x1xi32> to vector<256x64xi32>
      %eq3A_387 = arith.cmpi eq, %iota3A_382, %eq3A_386 : vector<256x64xi32>
      %convert_element_type3A_388 = arith.extui %eq3A_387 : vector<256x64xi1> to vector<256x64xi32>
      %convert_element_type3A_389 = arith.sitofp %convert_element_type3A_388 : vector<256x64xi32> to vector<256x64xf32>
      %dot_general3A_390 = arith.constant dense<0.000000e+00> : vector<256x1xf32>
      %dot_general3A_391 = tpu.matmul %convert_element_type3A_389, %broadcast_in_dim3A_212, %dot_general3A_390 {dimension_numbers = #tpu.dot_dimension_numbers<[1], [0], [0], [1], [0, 0, 1, 1], [], []>, transpose_lhs_hint = false} : vector<256x64xf32>, vector<64x1xf32>, vector<256x1xf32> -> vector<256x1xf32>
      %lt3A_392 = arith.cmpf olt, %convert_element_type3A_381, %dot_general3A_391 : vector<256x1xf32>
      %convert_element_type3A_393 = arith.extui %lt3A_392 : vector<256x1xi1> to vector<256x1xi32>
      %convert_element_type3A_394 = arith.sitofp %convert_element_type3A_393 : vector<256x1xi32> to vector<256x1xf32>
      %reduce_sum3A_395 = vector.shape_cast %convert_element_type3A_394 : vector<256x1xf32> to vector<1x256x1xf32>
      %reduce_sum3A_396 = arith.constant dense<0.000000e+00> : vector<1xf32>
      %reduce_sum3A_397 = vector.multi_reduction <add>, %reduce_sum3A_395, %reduce_sum3A_396 [1, 2] : vector<1x256x1xf32> to vector<1xf32>
      %reduce_sum3A_398 = vector.shape_cast %reduce_sum3A_397 : vector<1xf32> to vector<1x1x1xf32>
      %reduce_sum3A_399 = vector.extract %reduce_sum3A_398[0, 0, 0] : f32 from vector<1x1x1xf32>
      %add3A_400 = arith.addf %add3A_252, %reduce_sum3A_399 : f32
      %get3A_401 = arith.constant 256 : index
      %get3A_402 = arith.constant 0 : index
      %get3A_403 = vector.load %arg10[%get3A_401, %get3A_402] : memref<2048x3xf32, #tpu.memory_space<vmem>>, vector<256x3xf32>
      %mul3A_404 = arith.mulf %get3A_403, %get3A_403 : vector<256x3xf32>
      %reduce_sum3A_405 = arith.constant dense<0.000000e+00> : vector<256xf32>
      %reduce_sum3A_406 = vector.multi_reduction <add>, %mul3A_404, %reduce_sum3A_405 [1] : vector<256x3xf32> to vector<256xf32>
      %broadcast_in_dim3A_407 = vector.shape_cast %reduce_sum3A_406 : vector<256xf32> to vector<256x1xf32>
      %sqrt3A_408 = math.sqrt %broadcast_in_dim3A_407 : vector<256x1xf32>
      %max3A_409 = arith.constant 9.99999993E-9 : f32
      %max3A_410 = vector.broadcast %max3A_409 : f32 to vector<256x1xf32>
      %max3A_411 = arith.maximumf %sqrt3A_408, %max3A_410 : vector<256x1xf32>
      %div3A_412 = vector.broadcast %max3A_411 : vector<256x1xf32> to vector<256x3xf32>
      %div3A_413 = arith.divf %get3A_403, %div3A_412 : vector<256x3xf32>
      %slice3A_414 = vector.extract_strided_slice %dot_general3A_373 {offsets = [0, 0], sizes = [256, 3], strides = [1, 1]} : vector<256x10xf32> to vector<256x3xf32>
      %mul3A_415 = arith.mulf %div3A_413, %slice3A_414 : vector<256x3xf32>
      %reduce_sum3A_416 = arith.constant dense<0.000000e+00> : vector<256xf32>
      %reduce_sum3A_417 = vector.multi_reduction <add>, %mul3A_415, %reduce_sum3A_416 [1] : vector<256x3xf32> to vector<256xf32>
      %broadcast_in_dim3A_418 = vector.shape_cast %reduce_sum3A_417 : vector<256xf32> to vector<256x1xf32>
      %sub3A_419 = arith.constant 1.000000e+00 : f32
      %sub3A_420 = vector.broadcast %sub3A_419 : f32 to vector<256x1xf32>
      %sub3A_421 = arith.subf %sub3A_420, %broadcast_in_dim3A_418 : vector<256x1xf32>
      %mul3A_422 = arith.mulf %sub3A_421, %convert_element_type3A_394 : vector<256x1xf32>
      %reduce_sum3A_423 = vector.shape_cast %mul3A_422 : vector<256x1xf32> to vector<1x256x1xf32>
      %reduce_sum3A_424 = arith.constant dense<0.000000e+00> : vector<1xf32>
      %reduce_sum3A_425 = vector.multi_reduction <add>, %reduce_sum3A_423, %reduce_sum3A_424 [1, 2] : vector<1x256x1xf32> to vector<1xf32>
      %reduce_sum3A_426 = vector.shape_cast %reduce_sum3A_425 : vector<1xf32> to vector<1x1x1xf32>
      %reduce_sum3A_427 = vector.extract %reduce_sum3A_426[0, 0, 0] : f32 from vector<1x1x1xf32>
      %add3A_428 = arith.addf %add3A_280, %reduce_sum3A_427 : f32
      %get3A_429 = arith.constant 256 : index
      %get3A_430 = arith.constant 0 : index
      %get3A_431 = vector.load %arg11[%get3A_429, %get3A_430] : memref<2048x1xf32, #tpu.memory_space<vmem>>, vector<256x1xf32>
      %slice3A_432 = vector.extract_strided_slice %dot_general3A_373 {offsets = [0, 3], sizes = [256, 1], strides = [1, 1]} : vector<256x10xf32> to vector<256x1xf32>
      %sub3A_433 = arith.subf %get3A_431, %slice3A_432 : vector<256x1xf32>
      %mul3A_434 = arith.mulf %sub3A_433, %sub3A_433 : vector<256x1xf32>
      %mul3A_435 = arith.mulf %mul3A_434, %convert_element_type3A_394 : vector<256x1xf32>
      %reduce_sum3A_436 = vector.shape_cast %mul3A_435 : vector<256x1xf32> to vector<1x256x1xf32>
      %reduce_sum3A_437 = arith.constant dense<0.000000e+00> : vector<1xf32>
      %reduce_sum3A_438 = vector.multi_reduction <add>, %reduce_sum3A_436, %reduce_sum3A_437 [1, 2] : vector<1x256x1xf32> to vector<1xf32>
      %reduce_sum3A_439 = vector.shape_cast %reduce_sum3A_438 : vector<1xf32> to vector<1x1x1xf32>
      %reduce_sum3A_440 = vector.extract %reduce_sum3A_439[0, 0, 0] : f32 from vector<1x1x1xf32>
      %add3A_441 = arith.addf %add3A_294, %reduce_sum3A_440 : f32
      %get3A_442 = arith.constant 256 : index
      %get3A_443 = arith.constant 0 : index
      %get3A_444 = vector.load %arg12[%get3A_442, %get3A_443] : memref<2048x5xf32, #tpu.memory_space<vmem>>, vector<256x5xf32>
      %reduce_max3A_445 = arith.constant dense<0xFF800000> : vector<256xf32>
      %reduce_max3A_446 = vector.multi_reduction <maximumf>, %get3A_444, %reduce_max3A_445 [1] : vector<256x5xf32> to vector<256xf32>
      %broadcast_in_dim3A_447 = vector.shape_cast %reduce_max3A_446 : vector<256xf32> to vector<256x1xf32>
      %sub3A_448 = vector.broadcast %broadcast_in_dim3A_447 : vector<256x1xf32> to vector<256x5xf32>
      %sub3A_449 = arith.subf %get3A_444, %sub3A_448 : vector<256x5xf32>
      %exp3A_450 = math.exp %sub3A_449 : vector<256x5xf32>
      %reduce_sum3A_451 = arith.constant dense<0.000000e+00> : vector<256xf32>
      %reduce_sum3A_452 = vector.multi_reduction <add>, %exp3A_450, %reduce_sum3A_451 [1] : vector<256x5xf32> to vector<256xf32>
      %broadcast_in_dim3A_453 = vector.shape_cast %reduce_sum3A_452 : vector<256xf32> to vector<256x1xf32>
      %log3A_454 = math.log %broadcast_in_dim3A_453 : vector<256x1xf32>
      %add3A_455 = arith.addf %broadcast_in_dim3A_447, %log3A_454 : vector<256x1xf32>
      %sub3A_456 = vector.broadcast %add3A_455 : vector<256x1xf32> to vector<256x5xf32>
      %sub3A_457 = arith.subf %get3A_444, %sub3A_456 : vector<256x5xf32>
      %slice3A_458 = vector.extract_strided_slice %dot_general3A_373 {offsets = [0, 4], sizes = [256, 5], strides = [1, 1]} : vector<256x10xf32> to vector<256x5xf32>
      %mul3A_459 = arith.mulf %sub3A_457, %slice3A_458 : vector<256x5xf32>
      %reduce_sum3A_460 = arith.constant dense<0.000000e+00> : vector<256xf32>
      %reduce_sum3A_461 = vector.multi_reduction <add>, %mul3A_459, %reduce_sum3A_460 [1] : vector<256x5xf32> to vector<256xf32>
      %broadcast_in_dim3A_462 = vector.shape_cast %reduce_sum3A_461 : vector<256xf32> to vector<256x1xf32>
      %neg3A_463 = arith.constant 0.000000e+00 : f32
      %neg3A_464 = vector.broadcast %neg3A_463 : f32 to vector<256x1xf32>
      %neg3A_465 = arith.subf %neg3A_464, %broadcast_in_dim3A_462 : vector<256x1xf32>
      %mul3A_466 = arith.mulf %neg3A_465, %convert_element_type3A_394 : vector<256x1xf32>
      %reduce_sum3A_467 = vector.shape_cast %mul3A_466 : vector<256x1xf32> to vector<1x256x1xf32>
      %reduce_sum3A_468 = arith.constant dense<0.000000e+00> : vector<1xf32>
      %reduce_sum3A_469 = vector.multi_reduction <add>, %reduce_sum3A_467, %reduce_sum3A_468 [1, 2] : vector<1x256x1xf32> to vector<1xf32>
      %reduce_sum3A_470 = vector.shape_cast %reduce_sum3A_469 : vector<1xf32> to vector<1x1x1xf32>
      %reduce_sum3A_471 = vector.extract %reduce_sum3A_470[0, 0, 0] : f32 from vector<1x1x1xf32>
      %add3A_472 = arith.addf %add3A_323, %reduce_sum3A_471 : f32
      %get3A_473 = arith.constant 256 : index
      %get3A_474 = arith.constant 0 : index
      %get3A_475 = vector.load %arg13[%get3A_473, %get3A_474] : memref<2048x1xf32, #tpu.memory_space<vmem>>, vector<256x1xf32>
      %slice3A_476 = vector.extract_strided_slice %dot_general3A_373 {offsets = [0, 9], sizes = [256, 1], strides = [1, 1]} : vector<256x10xf32> to vector<256x1xf32>
      %sub3A_477 = arith.subf %get3A_475, %slice3A_476 : vector<256x1xf32>
      %mul3A_478 = arith.mulf %sub3A_477, %sub3A_477 : vector<256x1xf32>
      %mul3A_479 = arith.mulf %mul3A_478, %convert_element_type3A_394 : vector<256x1xf32>
      %reduce_sum3A_480 = vector.shape_cast %mul3A_479 : vector<256x1xf32> to vector<1x256x1xf32>
      %reduce_sum3A_481 = arith.constant dense<0.000000e+00> : vector<1xf32>
      %reduce_sum3A_482 = vector.multi_reduction <add>, %reduce_sum3A_480, %reduce_sum3A_481 [1, 2] : vector<1x256x1xf32> to vector<1xf32>
      %reduce_sum3A_483 = vector.shape_cast %reduce_sum3A_482 : vector<1xf32> to vector<1x1x1xf32>
      %reduce_sum3A_484 = vector.extract %reduce_sum3A_483[0, 0, 0] : f32 from vector<1x1x1xf32>
      %add3A_485 = arith.addf %add3A_337, %reduce_sum3A_484 : f32
      %get3A_486 = arith.constant 256 : index
      %get3A_487 = arith.constant 0 : index
      %get3A_488 = vector.load %arg14[%get3A_486, %get3A_487] : memref<2048x1xf32, #tpu.memory_space<vmem>>, vector<256x1xf32>
      %sub3A_489 = arith.constant 1.000000e+00 : f32
      %sub3A_490 = vector.broadcast %sub3A_489 : f32 to vector<256x1xf32>
      %sub3A_491 = arith.subf %sub3A_490, %convert_element_type3A_394 : vector<256x1xf32>
      %max3A_492 = arith.constant 0.000000e+00 : f32
      %max3A_493 = vector.broadcast %max3A_492 : f32 to vector<256x1xf32>
      %max3A_494 = arith.maximumf %get3A_488, %max3A_493 : vector<256x1xf32>
      %mul3A_495 = arith.mulf %get3A_488, %sub3A_491 : vector<256x1xf32>
      %sub3A_496 = arith.subf %max3A_494, %mul3A_495 : vector<256x1xf32>
      %abs3A_497 = math.absf %get3A_488 : vector<256x1xf32>
      %neg3A_498 = arith.constant 0.000000e+00 : f32
      %neg3A_499 = vector.broadcast %neg3A_498 : f32 to vector<256x1xf32>
      %neg3A_500 = arith.subf %neg3A_499, %abs3A_497 : vector<256x1xf32>
      %exp3A_501 = math.exp %neg3A_500 : vector<256x1xf32>
      %log1p3A_502 = math.log1p %exp3A_501 : vector<256x1xf32>
      %add3A_503 = arith.addf %sub3A_496, %log1p3A_502 : vector<256x1xf32>
      %reduce_sum3A_504 = vector.shape_cast %add3A_503 : vector<256x1xf32> to vector<1x256x1xf32>
      %reduce_sum3A_505 = arith.constant dense<0.000000e+00> : vector<1xf32>
      %reduce_sum3A_506 = vector.multi_reduction <add>, %reduce_sum3A_504, %reduce_sum3A_505 [1, 2] : vector<1x256x1xf32> to vector<1xf32>
      %reduce_sum3A_507 = vector.shape_cast %reduce_sum3A_506 : vector<1xf32> to vector<1x1x1xf32>
      %reduce_sum3A_508 = vector.extract %reduce_sum3A_507[0, 0, 0] : f32 from vector<1x1x1xf32>
      %add3A_509 = arith.addf %add3A_360, %reduce_sum3A_508 : f32
      %iota3A_510 = tpu.iota {dimensions = array<i32: 0>} : vector<256x1280xi32>
      %add3A_511 = arith.constant 512 : i32
      %add3A_512 = vector.broadcast %add3A_511 : i32 to vector<256x1280xi32>
      %add3A_513 = arith.addi %add3A_512, %iota3A_510 : vector<256x1280xi32>
      %convert_element_type3A_514 = arith.sitofp %add3A_513 : vector<256x1280xi32> to vector<256x1280xf32>
      %eq3A_515 = vector.broadcast %add3A_173 : vector<1x1280xf32> to vector<256x1280xf32>
      %eq3A_516 = arith.cmpf oeq, %convert_element_type3A_514, %eq3A_515 : vector<256x1280xf32>
      %and3A_517 = vector.broadcast %lt3A_166 : vector<1x1280xi1> to vector<256x1280xi1>
      %and3A_518 = arith.andi %eq3A_516, %and3A_517 : vector<256x1280xi1>
      %convert_element_type3A_519 = arith.extui %and3A_518 : vector<256x1280xi1> to vector<256x1280xi32>
      %convert_element_type3A_520 = arith.sitofp %convert_element_type3A_519 : vector<256x1280xi32> to vector<256x1280xf32>
      %dot_general3A_521 = arith.constant dense<0.000000e+00> : vector<256x10xf32>
      %dot_general3A_522 = tpu.matmul %convert_element_type3A_520, %concatenate3A, %dot_general3A_521 {dimension_numbers = #tpu.dot_dimension_numbers<[1], [0], [0], [1], [0, 0, 1, 1], [], []>, transpose_lhs_hint = false} : vector<256x1280xf32>, vector<1280x10xf32>, vector<256x10xf32> -> vector<256x10xf32>
      %iota3A_523 = tpu.iota {dimensions = array<i32: 0>} : vector<256x1xi32>
      %add3A_524 = arith.constant 512 : i32
      %add3A_525 = vector.broadcast %add3A_524 : i32 to vector<256x1xi32>
      %add3A_526 = arith.addi %add3A_525, %iota3A_523 : vector<256x1xi32>
      %shift_right_logical3A_527 = arith.constant 6 : i32
      %shift_right_logical3A_528 = vector.broadcast %shift_right_logical3A_527 : i32 to vector<256x1xi32>
      %shift_right_logical3A_529 = arith.shrui %add3A_526, %shift_right_logical3A_528 : vector<256x1xi32>
      %convert_element_type3A_530 = arith.sitofp %shift_right_logical3A_529 : vector<256x1xi32> to vector<256x1xf32>
      %iota3A_531 = tpu.iota {dimensions = array<i32: 1>} : vector<256x64xi32>
      %and3A_532 = arith.constant 63 : i32
      %and3A_533 = vector.broadcast %and3A_532 : i32 to vector<256x1xi32>
      %and3A_534 = arith.andi %add3A_526, %and3A_533 : vector<256x1xi32>
      %eq3A_535 = vector.broadcast %and3A_534 : vector<256x1xi32> to vector<256x64xi32>
      %eq3A_536 = arith.cmpi eq, %iota3A_531, %eq3A_535 : vector<256x64xi32>
      %convert_element_type3A_537 = arith.extui %eq3A_536 : vector<256x64xi1> to vector<256x64xi32>
      %convert_element_type3A_538 = arith.sitofp %convert_element_type3A_537 : vector<256x64xi32> to vector<256x64xf32>
      %dot_general3A_539 = arith.constant dense<0.000000e+00> : vector<256x1xf32>
      %dot_general3A_540 = tpu.matmul %convert_element_type3A_538, %broadcast_in_dim3A_212, %dot_general3A_539 {dimension_numbers = #tpu.dot_dimension_numbers<[1], [0], [0], [1], [0, 0, 1, 1], [], []>, transpose_lhs_hint = false} : vector<256x64xf32>, vector<64x1xf32>, vector<256x1xf32> -> vector<256x1xf32>
      %lt3A_541 = arith.cmpf olt, %convert_element_type3A_530, %dot_general3A_540 : vector<256x1xf32>
      %convert_element_type3A_542 = arith.extui %lt3A_541 : vector<256x1xi1> to vector<256x1xi32>
      %convert_element_type3A_543 = arith.sitofp %convert_element_type3A_542 : vector<256x1xi32> to vector<256x1xf32>
      %reduce_sum3A_544 = vector.shape_cast %convert_element_type3A_543 : vector<256x1xf32> to vector<1x256x1xf32>
      %reduce_sum3A_545 = arith.constant dense<0.000000e+00> : vector<1xf32>
      %reduce_sum3A_546 = vector.multi_reduction <add>, %reduce_sum3A_544, %reduce_sum3A_545 [1, 2] : vector<1x256x1xf32> to vector<1xf32>
      %reduce_sum3A_547 = vector.shape_cast %reduce_sum3A_546 : vector<1xf32> to vector<1x1x1xf32>
      %reduce_sum3A_548 = vector.extract %reduce_sum3A_547[0, 0, 0] : f32 from vector<1x1x1xf32>
      %add3A_549 = arith.addf %add3A_400, %reduce_sum3A_548 : f32
      %get3A_550 = arith.constant 512 : index
      %get3A_551 = arith.constant 0 : index
      %get3A_552 = vector.load %arg10[%get3A_550, %get3A_551] : memref<2048x3xf32, #tpu.memory_space<vmem>>, vector<256x3xf32>
      %mul3A_553 = arith.mulf %get3A_552, %get3A_552 : vector<256x3xf32>
      %reduce_sum3A_554 = arith.constant dense<0.000000e+00> : vector<256xf32>
      %reduce_sum3A_555 = vector.multi_reduction <add>, %mul3A_553, %reduce_sum3A_554 [1] : vector<256x3xf32> to vector<256xf32>
      %broadcast_in_dim3A_556 = vector.shape_cast %reduce_sum3A_555 : vector<256xf32> to vector<256x1xf32>
      %sqrt3A_557 = math.sqrt %broadcast_in_dim3A_556 : vector<256x1xf32>
      %max3A_558 = arith.constant 9.99999993E-9 : f32
      %max3A_559 = vector.broadcast %max3A_558 : f32 to vector<256x1xf32>
      %max3A_560 = arith.maximumf %sqrt3A_557, %max3A_559 : vector<256x1xf32>
      %div3A_561 = vector.broadcast %max3A_560 : vector<256x1xf32> to vector<256x3xf32>
      %div3A_562 = arith.divf %get3A_552, %div3A_561 : vector<256x3xf32>
      %slice3A_563 = vector.extract_strided_slice %dot_general3A_522 {offsets = [0, 0], sizes = [256, 3], strides = [1, 1]} : vector<256x10xf32> to vector<256x3xf32>
      %mul3A_564 = arith.mulf %div3A_562, %slice3A_563 : vector<256x3xf32>
      %reduce_sum3A_565 = arith.constant dense<0.000000e+00> : vector<256xf32>
      %reduce_sum3A_566 = vector.multi_reduction <add>, %mul3A_564, %reduce_sum3A_565 [1] : vector<256x3xf32> to vector<256xf32>
      %broadcast_in_dim3A_567 = vector.shape_cast %reduce_sum3A_566 : vector<256xf32> to vector<256x1xf32>
      %sub3A_568 = arith.constant 1.000000e+00 : f32
      %sub3A_569 = vector.broadcast %sub3A_568 : f32 to vector<256x1xf32>
      %sub3A_570 = arith.subf %sub3A_569, %broadcast_in_dim3A_567 : vector<256x1xf32>
      %mul3A_571 = arith.mulf %sub3A_570, %convert_element_type3A_543 : vector<256x1xf32>
      %reduce_sum3A_572 = vector.shape_cast %mul3A_571 : vector<256x1xf32> to vector<1x256x1xf32>
      %reduce_sum3A_573 = arith.constant dense<0.000000e+00> : vector<1xf32>
      %reduce_sum3A_574 = vector.multi_reduction <add>, %reduce_sum3A_572, %reduce_sum3A_573 [1, 2] : vector<1x256x1xf32> to vector<1xf32>
      %reduce_sum3A_575 = vector.shape_cast %reduce_sum3A_574 : vector<1xf32> to vector<1x1x1xf32>
      %reduce_sum3A_576 = vector.extract %reduce_sum3A_575[0, 0, 0] : f32 from vector<1x1x1xf32>
      %add3A_577 = arith.addf %add3A_428, %reduce_sum3A_576 : f32
      %get3A_578 = arith.constant 512 : index
      %get3A_579 = arith.constant 0 : index
      %get3A_580 = vector.load %arg11[%get3A_578, %get3A_579] : memref<2048x1xf32, #tpu.memory_space<vmem>>, vector<256x1xf32>
      %slice3A_581 = vector.extract_strided_slice %dot_general3A_522 {offsets = [0, 3], sizes = [256, 1], strides = [1, 1]} : vector<256x10xf32> to vector<256x1xf32>
      %sub3A_582 = arith.subf %get3A_580, %slice3A_581 : vector<256x1xf32>
      %mul3A_583 = arith.mulf %sub3A_582, %sub3A_582 : vector<256x1xf32>
      %mul3A_584 = arith.mulf %mul3A_583, %convert_element_type3A_543 : vector<256x1xf32>
      %reduce_sum3A_585 = vector.shape_cast %mul3A_584 : vector<256x1xf32> to vector<1x256x1xf32>
      %reduce_sum3A_586 = arith.constant dense<0.000000e+00> : vector<1xf32>
      %reduce_sum3A_587 = vector.multi_reduction <add>, %reduce_sum3A_585, %reduce_sum3A_586 [1, 2] : vector<1x256x1xf32> to vector<1xf32>
      %reduce_sum3A_588 = vector.shape_cast %reduce_sum3A_587 : vector<1xf32> to vector<1x1x1xf32>
      %reduce_sum3A_589 = vector.extract %reduce_sum3A_588[0, 0, 0] : f32 from vector<1x1x1xf32>
      %add3A_590 = arith.addf %add3A_441, %reduce_sum3A_589 : f32
      %get3A_591 = arith.constant 512 : index
      %get3A_592 = arith.constant 0 : index
      %get3A_593 = vector.load %arg12[%get3A_591, %get3A_592] : memref<2048x5xf32, #tpu.memory_space<vmem>>, vector<256x5xf32>
      %reduce_max3A_594 = arith.constant dense<0xFF800000> : vector<256xf32>
      %reduce_max3A_595 = vector.multi_reduction <maximumf>, %get3A_593, %reduce_max3A_594 [1] : vector<256x5xf32> to vector<256xf32>
      %broadcast_in_dim3A_596 = vector.shape_cast %reduce_max3A_595 : vector<256xf32> to vector<256x1xf32>
      %sub3A_597 = vector.broadcast %broadcast_in_dim3A_596 : vector<256x1xf32> to vector<256x5xf32>
      %sub3A_598 = arith.subf %get3A_593, %sub3A_597 : vector<256x5xf32>
      %exp3A_599 = math.exp %sub3A_598 : vector<256x5xf32>
      %reduce_sum3A_600 = arith.constant dense<0.000000e+00> : vector<256xf32>
      %reduce_sum3A_601 = vector.multi_reduction <add>, %exp3A_599, %reduce_sum3A_600 [1] : vector<256x5xf32> to vector<256xf32>
      %broadcast_in_dim3A_602 = vector.shape_cast %reduce_sum3A_601 : vector<256xf32> to vector<256x1xf32>
      %log3A_603 = math.log %broadcast_in_dim3A_602 : vector<256x1xf32>
      %add3A_604 = arith.addf %broadcast_in_dim3A_596, %log3A_603 : vector<256x1xf32>
      %sub3A_605 = vector.broadcast %add3A_604 : vector<256x1xf32> to vector<256x5xf32>
      %sub3A_606 = arith.subf %get3A_593, %sub3A_605 : vector<256x5xf32>
      %slice3A_607 = vector.extract_strided_slice %dot_general3A_522 {offsets = [0, 4], sizes = [256, 5], strides = [1, 1]} : vector<256x10xf32> to vector<256x5xf32>
      %mul3A_608 = arith.mulf %sub3A_606, %slice3A_607 : vector<256x5xf32>
      %reduce_sum3A_609 = arith.constant dense<0.000000e+00> : vector<256xf32>
      %reduce_sum3A_610 = vector.multi_reduction <add>, %mul3A_608, %reduce_sum3A_609 [1] : vector<256x5xf32> to vector<256xf32>
      %broadcast_in_dim3A_611 = vector.shape_cast %reduce_sum3A_610 : vector<256xf32> to vector<256x1xf32>
      %neg3A_612 = arith.constant 0.000000e+00 : f32
      %neg3A_613 = vector.broadcast %neg3A_612 : f32 to vector<256x1xf32>
      %neg3A_614 = arith.subf %neg3A_613, %broadcast_in_dim3A_611 : vector<256x1xf32>
      %mul3A_615 = arith.mulf %neg3A_614, %convert_element_type3A_543 : vector<256x1xf32>
      %reduce_sum3A_616 = vector.shape_cast %mul3A_615 : vector<256x1xf32> to vector<1x256x1xf32>
      %reduce_sum3A_617 = arith.constant dense<0.000000e+00> : vector<1xf32>
      %reduce_sum3A_618 = vector.multi_reduction <add>, %reduce_sum3A_616, %reduce_sum3A_617 [1, 2] : vector<1x256x1xf32> to vector<1xf32>
      %reduce_sum3A_619 = vector.shape_cast %reduce_sum3A_618 : vector<1xf32> to vector<1x1x1xf32>
      %reduce_sum3A_620 = vector.extract %reduce_sum3A_619[0, 0, 0] : f32 from vector<1x1x1xf32>
      %add3A_621 = arith.addf %add3A_472, %reduce_sum3A_620 : f32
      %get3A_622 = arith.constant 512 : index
      %get3A_623 = arith.constant 0 : index
      %get3A_624 = vector.load %arg13[%get3A_622, %get3A_623] : memref<2048x1xf32, #tpu.memory_space<vmem>>, vector<256x1xf32>
      %slice3A_625 = vector.extract_strided_slice %dot_general3A_522 {offsets = [0, 9], sizes = [256, 1], strides = [1, 1]} : vector<256x10xf32> to vector<256x1xf32>
      %sub3A_626 = arith.subf %get3A_624, %slice3A_625 : vector<256x1xf32>
      %mul3A_627 = arith.mulf %sub3A_626, %sub3A_626 : vector<256x1xf32>
      %mul3A_628 = arith.mulf %mul3A_627, %convert_element_type3A_543 : vector<256x1xf32>
      %reduce_sum3A_629 = vector.shape_cast %mul3A_628 : vector<256x1xf32> to vector<1x256x1xf32>
      %reduce_sum3A_630 = arith.constant dense<0.000000e+00> : vector<1xf32>
      %reduce_sum3A_631 = vector.multi_reduction <add>, %reduce_sum3A_629, %reduce_sum3A_630 [1, 2] : vector<1x256x1xf32> to vector<1xf32>
      %reduce_sum3A_632 = vector.shape_cast %reduce_sum3A_631 : vector<1xf32> to vector<1x1x1xf32>
      %reduce_sum3A_633 = vector.extract %reduce_sum3A_632[0, 0, 0] : f32 from vector<1x1x1xf32>
      %add3A_634 = arith.addf %add3A_485, %reduce_sum3A_633 : f32
      %get3A_635 = arith.constant 512 : index
      %get3A_636 = arith.constant 0 : index
      %get3A_637 = vector.load %arg14[%get3A_635, %get3A_636] : memref<2048x1xf32, #tpu.memory_space<vmem>>, vector<256x1xf32>
      %sub3A_638 = arith.constant 1.000000e+00 : f32
      %sub3A_639 = vector.broadcast %sub3A_638 : f32 to vector<256x1xf32>
      %sub3A_640 = arith.subf %sub3A_639, %convert_element_type3A_543 : vector<256x1xf32>
      %max3A_641 = arith.constant 0.000000e+00 : f32
      %max3A_642 = vector.broadcast %max3A_641 : f32 to vector<256x1xf32>
      %max3A_643 = arith.maximumf %get3A_637, %max3A_642 : vector<256x1xf32>
      %mul3A_644 = arith.mulf %get3A_637, %sub3A_640 : vector<256x1xf32>
      %sub3A_645 = arith.subf %max3A_643, %mul3A_644 : vector<256x1xf32>
      %abs3A_646 = math.absf %get3A_637 : vector<256x1xf32>
      %neg3A_647 = arith.constant 0.000000e+00 : f32
      %neg3A_648 = vector.broadcast %neg3A_647 : f32 to vector<256x1xf32>
      %neg3A_649 = arith.subf %neg3A_648, %abs3A_646 : vector<256x1xf32>
      %exp3A_650 = math.exp %neg3A_649 : vector<256x1xf32>
      %log1p3A_651 = math.log1p %exp3A_650 : vector<256x1xf32>
      %add3A_652 = arith.addf %sub3A_645, %log1p3A_651 : vector<256x1xf32>
      %reduce_sum3A_653 = vector.shape_cast %add3A_652 : vector<256x1xf32> to vector<1x256x1xf32>
      %reduce_sum3A_654 = arith.constant dense<0.000000e+00> : vector<1xf32>
      %reduce_sum3A_655 = vector.multi_reduction <add>, %reduce_sum3A_653, %reduce_sum3A_654 [1, 2] : vector<1x256x1xf32> to vector<1xf32>
      %reduce_sum3A_656 = vector.shape_cast %reduce_sum3A_655 : vector<1xf32> to vector<1x1x1xf32>
      %reduce_sum3A_657 = vector.extract %reduce_sum3A_656[0, 0, 0] : f32 from vector<1x1x1xf32>
      %add3A_658 = arith.addf %add3A_509, %reduce_sum3A_657 : f32
      %iota3A_659 = tpu.iota {dimensions = array<i32: 0>} : vector<256x1280xi32>
      %add3A_660 = arith.constant 768 : i32
      %add3A_661 = vector.broadcast %add3A_660 : i32 to vector<256x1280xi32>
      %add3A_662 = arith.addi %add3A_661, %iota3A_659 : vector<256x1280xi32>
      %convert_element_type3A_663 = arith.sitofp %add3A_662 : vector<256x1280xi32> to vector<256x1280xf32>
      %eq3A_664 = vector.broadcast %add3A_173 : vector<1x1280xf32> to vector<256x1280xf32>
      %eq3A_665 = arith.cmpf oeq, %convert_element_type3A_663, %eq3A_664 : vector<256x1280xf32>
      %and3A_666 = vector.broadcast %lt3A_166 : vector<1x1280xi1> to vector<256x1280xi1>
      %and3A_667 = arith.andi %eq3A_665, %and3A_666 : vector<256x1280xi1>
      %convert_element_type3A_668 = arith.extui %and3A_667 : vector<256x1280xi1> to vector<256x1280xi32>
      %convert_element_type3A_669 = arith.sitofp %convert_element_type3A_668 : vector<256x1280xi32> to vector<256x1280xf32>
      %dot_general3A_670 = arith.constant dense<0.000000e+00> : vector<256x10xf32>
      %dot_general3A_671 = tpu.matmul %convert_element_type3A_669, %concatenate3A, %dot_general3A_670 {dimension_numbers = #tpu.dot_dimension_numbers<[1], [0], [0], [1], [0, 0, 1, 1], [], []>, transpose_lhs_hint = false} : vector<256x1280xf32>, vector<1280x10xf32>, vector<256x10xf32> -> vector<256x10xf32>
      %iota3A_672 = tpu.iota {dimensions = array<i32: 0>} : vector<256x1xi32>
      %add3A_673 = arith.constant 768 : i32
      %add3A_674 = vector.broadcast %add3A_673 : i32 to vector<256x1xi32>
      %add3A_675 = arith.addi %add3A_674, %iota3A_672 : vector<256x1xi32>
      %shift_right_logical3A_676 = arith.constant 6 : i32
      %shift_right_logical3A_677 = vector.broadcast %shift_right_logical3A_676 : i32 to vector<256x1xi32>
      %shift_right_logical3A_678 = arith.shrui %add3A_675, %shift_right_logical3A_677 : vector<256x1xi32>
      %convert_element_type3A_679 = arith.sitofp %shift_right_logical3A_678 : vector<256x1xi32> to vector<256x1xf32>
      %iota3A_680 = tpu.iota {dimensions = array<i32: 1>} : vector<256x64xi32>
      %and3A_681 = arith.constant 63 : i32
      %and3A_682 = vector.broadcast %and3A_681 : i32 to vector<256x1xi32>
      %and3A_683 = arith.andi %add3A_675, %and3A_682 : vector<256x1xi32>
      %eq3A_684 = vector.broadcast %and3A_683 : vector<256x1xi32> to vector<256x64xi32>
      %eq3A_685 = arith.cmpi eq, %iota3A_680, %eq3A_684 : vector<256x64xi32>
      %convert_element_type3A_686 = arith.extui %eq3A_685 : vector<256x64xi1> to vector<256x64xi32>
      %convert_element_type3A_687 = arith.sitofp %convert_element_type3A_686 : vector<256x64xi32> to vector<256x64xf32>
      %dot_general3A_688 = arith.constant dense<0.000000e+00> : vector<256x1xf32>
      %dot_general3A_689 = tpu.matmul %convert_element_type3A_687, %broadcast_in_dim3A_212, %dot_general3A_688 {dimension_numbers = #tpu.dot_dimension_numbers<[1], [0], [0], [1], [0, 0, 1, 1], [], []>, transpose_lhs_hint = false} : vector<256x64xf32>, vector<64x1xf32>, vector<256x1xf32> -> vector<256x1xf32>
      %lt3A_690 = arith.cmpf olt, %convert_element_type3A_679, %dot_general3A_689 : vector<256x1xf32>
      %convert_element_type3A_691 = arith.extui %lt3A_690 : vector<256x1xi1> to vector<256x1xi32>
      %convert_element_type3A_692 = arith.sitofp %convert_element_type3A_691 : vector<256x1xi32> to vector<256x1xf32>
      %reduce_sum3A_693 = vector.shape_cast %convert_element_type3A_692 : vector<256x1xf32> to vector<1x256x1xf32>
      %reduce_sum3A_694 = arith.constant dense<0.000000e+00> : vector<1xf32>
      %reduce_sum3A_695 = vector.multi_reduction <add>, %reduce_sum3A_693, %reduce_sum3A_694 [1, 2] : vector<1x256x1xf32> to vector<1xf32>
      %reduce_sum3A_696 = vector.shape_cast %reduce_sum3A_695 : vector<1xf32> to vector<1x1x1xf32>
      %reduce_sum3A_697 = vector.extract %reduce_sum3A_696[0, 0, 0] : f32 from vector<1x1x1xf32>
      %add3A_698 = arith.addf %add3A_549, %reduce_sum3A_697 : f32
      %get3A_699 = arith.constant 768 : index
      %get3A_700 = arith.constant 0 : index
      %get3A_701 = vector.load %arg10[%get3A_699, %get3A_700] : memref<2048x3xf32, #tpu.memory_space<vmem>>, vector<256x3xf32>
      %mul3A_702 = arith.mulf %get3A_701, %get3A_701 : vector<256x3xf32>
      %reduce_sum3A_703 = arith.constant dense<0.000000e+00> : vector<256xf32>
      %reduce_sum3A_704 = vector.multi_reduction <add>, %mul3A_702, %reduce_sum3A_703 [1] : vector<256x3xf32> to vector<256xf32>
      %broadcast_in_dim3A_705 = vector.shape_cast %reduce_sum3A_704 : vector<256xf32> to vector<256x1xf32>
      %sqrt3A_706 = math.sqrt %broadcast_in_dim3A_705 : vector<256x1xf32>
      %max3A_707 = arith.constant 9.99999993E-9 : f32
      %max3A_708 = vector.broadcast %max3A_707 : f32 to vector<256x1xf32>
      %max3A_709 = arith.maximumf %sqrt3A_706, %max3A_708 : vector<256x1xf32>
      %div3A_710 = vector.broadcast %max3A_709 : vector<256x1xf32> to vector<256x3xf32>
      %div3A_711 = arith.divf %get3A_701, %div3A_710 : vector<256x3xf32>
      %slice3A_712 = vector.extract_strided_slice %dot_general3A_671 {offsets = [0, 0], sizes = [256, 3], strides = [1, 1]} : vector<256x10xf32> to vector<256x3xf32>
      %mul3A_713 = arith.mulf %div3A_711, %slice3A_712 : vector<256x3xf32>
      %reduce_sum3A_714 = arith.constant dense<0.000000e+00> : vector<256xf32>
      %reduce_sum3A_715 = vector.multi_reduction <add>, %mul3A_713, %reduce_sum3A_714 [1] : vector<256x3xf32> to vector<256xf32>
      %broadcast_in_dim3A_716 = vector.shape_cast %reduce_sum3A_715 : vector<256xf32> to vector<256x1xf32>
      %sub3A_717 = arith.constant 1.000000e+00 : f32
      %sub3A_718 = vector.broadcast %sub3A_717 : f32 to vector<256x1xf32>
      %sub3A_719 = arith.subf %sub3A_718, %broadcast_in_dim3A_716 : vector<256x1xf32>
      %mul3A_720 = arith.mulf %sub3A_719, %convert_element_type3A_692 : vector<256x1xf32>
      %reduce_sum3A_721 = vector.shape_cast %mul3A_720 : vector<256x1xf32> to vector<1x256x1xf32>
      %reduce_sum3A_722 = arith.constant dense<0.000000e+00> : vector<1xf32>
      %reduce_sum3A_723 = vector.multi_reduction <add>, %reduce_sum3A_721, %reduce_sum3A_722 [1, 2] : vector<1x256x1xf32> to vector<1xf32>
      %reduce_sum3A_724 = vector.shape_cast %reduce_sum3A_723 : vector<1xf32> to vector<1x1x1xf32>
      %reduce_sum3A_725 = vector.extract %reduce_sum3A_724[0, 0, 0] : f32 from vector<1x1x1xf32>
      %add3A_726 = arith.addf %add3A_577, %reduce_sum3A_725 : f32
      %get3A_727 = arith.constant 768 : index
      %get3A_728 = arith.constant 0 : index
      %get3A_729 = vector.load %arg11[%get3A_727, %get3A_728] : memref<2048x1xf32, #tpu.memory_space<vmem>>, vector<256x1xf32>
      %slice3A_730 = vector.extract_strided_slice %dot_general3A_671 {offsets = [0, 3], sizes = [256, 1], strides = [1, 1]} : vector<256x10xf32> to vector<256x1xf32>
      %sub3A_731 = arith.subf %get3A_729, %slice3A_730 : vector<256x1xf32>
      %mul3A_732 = arith.mulf %sub3A_731, %sub3A_731 : vector<256x1xf32>
      %mul3A_733 = arith.mulf %mul3A_732, %convert_element_type3A_692 : vector<256x1xf32>
      %reduce_sum3A_734 = vector.shape_cast %mul3A_733 : vector<256x1xf32> to vector<1x256x1xf32>
      %reduce_sum3A_735 = arith.constant dense<0.000000e+00> : vector<1xf32>
      %reduce_sum3A_736 = vector.multi_reduction <add>, %reduce_sum3A_734, %reduce_sum3A_735 [1, 2] : vector<1x256x1xf32> to vector<1xf32>
      %reduce_sum3A_737 = vector.shape_cast %reduce_sum3A_736 : vector<1xf32> to vector<1x1x1xf32>
      %reduce_sum3A_738 = vector.extract %reduce_sum3A_737[0, 0, 0] : f32 from vector<1x1x1xf32>
      %add3A_739 = arith.addf %add3A_590, %reduce_sum3A_738 : f32
      %get3A_740 = arith.constant 768 : index
      %get3A_741 = arith.constant 0 : index
      %get3A_742 = vector.load %arg12[%get3A_740, %get3A_741] : memref<2048x5xf32, #tpu.memory_space<vmem>>, vector<256x5xf32>
      %reduce_max3A_743 = arith.constant dense<0xFF800000> : vector<256xf32>
      %reduce_max3A_744 = vector.multi_reduction <maximumf>, %get3A_742, %reduce_max3A_743 [1] : vector<256x5xf32> to vector<256xf32>
      %broadcast_in_dim3A_745 = vector.shape_cast %reduce_max3A_744 : vector<256xf32> to vector<256x1xf32>
      %sub3A_746 = vector.broadcast %broadcast_in_dim3A_745 : vector<256x1xf32> to vector<256x5xf32>
      %sub3A_747 = arith.subf %get3A_742, %sub3A_746 : vector<256x5xf32>
      %exp3A_748 = math.exp %sub3A_747 : vector<256x5xf32>
      %reduce_sum3A_749 = arith.constant dense<0.000000e+00> : vector<256xf32>
      %reduce_sum3A_750 = vector.multi_reduction <add>, %exp3A_748, %reduce_sum3A_749 [1] : vector<256x5xf32> to vector<256xf32>
      %broadcast_in_dim3A_751 = vector.shape_cast %reduce_sum3A_750 : vector<256xf32> to vector<256x1xf32>
      %log3A_752 = math.log %broadcast_in_dim3A_751 : vector<256x1xf32>
      %add3A_753 = arith.addf %broadcast_in_dim3A_745, %log3A_752 : vector<256x1xf32>
      %sub3A_754 = vector.broadcast %add3A_753 : vector<256x1xf32> to vector<256x5xf32>
      %sub3A_755 = arith.subf %get3A_742, %sub3A_754 : vector<256x5xf32>
      %slice3A_756 = vector.extract_strided_slice %dot_general3A_671 {offsets = [0, 4], sizes = [256, 5], strides = [1, 1]} : vector<256x10xf32> to vector<256x5xf32>
      %mul3A_757 = arith.mulf %sub3A_755, %slice3A_756 : vector<256x5xf32>
      %reduce_sum3A_758 = arith.constant dense<0.000000e+00> : vector<256xf32>
      %reduce_sum3A_759 = vector.multi_reduction <add>, %mul3A_757, %reduce_sum3A_758 [1] : vector<256x5xf32> to vector<256xf32>
      %broadcast_in_dim3A_760 = vector.shape_cast %reduce_sum3A_759 : vector<256xf32> to vector<256x1xf32>
      %neg3A_761 = arith.constant 0.000000e+00 : f32
      %neg3A_762 = vector.broadcast %neg3A_761 : f32 to vector<256x1xf32>
      %neg3A_763 = arith.subf %neg3A_762, %broadcast_in_dim3A_760 : vector<256x1xf32>
      %mul3A_764 = arith.mulf %neg3A_763, %convert_element_type3A_692 : vector<256x1xf32>
      %reduce_sum3A_765 = vector.shape_cast %mul3A_764 : vector<256x1xf32> to vector<1x256x1xf32>
      %reduce_sum3A_766 = arith.constant dense<0.000000e+00> : vector<1xf32>
      %reduce_sum3A_767 = vector.multi_reduction <add>, %reduce_sum3A_765, %reduce_sum3A_766 [1, 2] : vector<1x256x1xf32> to vector<1xf32>
      %reduce_sum3A_768 = vector.shape_cast %reduce_sum3A_767 : vector<1xf32> to vector<1x1x1xf32>
      %reduce_sum3A_769 = vector.extract %reduce_sum3A_768[0, 0, 0] : f32 from vector<1x1x1xf32>
      %add3A_770 = arith.addf %add3A_621, %reduce_sum3A_769 : f32
      %get3A_771 = arith.constant 768 : index
      %get3A_772 = arith.constant 0 : index
      %get3A_773 = vector.load %arg13[%get3A_771, %get3A_772] : memref<2048x1xf32, #tpu.memory_space<vmem>>, vector<256x1xf32>
      %slice3A_774 = vector.extract_strided_slice %dot_general3A_671 {offsets = [0, 9], sizes = [256, 1], strides = [1, 1]} : vector<256x10xf32> to vector<256x1xf32>
      %sub3A_775 = arith.subf %get3A_773, %slice3A_774 : vector<256x1xf32>
      %mul3A_776 = arith.mulf %sub3A_775, %sub3A_775 : vector<256x1xf32>
      %mul3A_777 = arith.mulf %mul3A_776, %convert_element_type3A_692 : vector<256x1xf32>
      %reduce_sum3A_778 = vector.shape_cast %mul3A_777 : vector<256x1xf32> to vector<1x256x1xf32>
      %reduce_sum3A_779 = arith.constant dense<0.000000e+00> : vector<1xf32>
      %reduce_sum3A_780 = vector.multi_reduction <add>, %reduce_sum3A_778, %reduce_sum3A_779 [1, 2] : vector<1x256x1xf32> to vector<1xf32>
      %reduce_sum3A_781 = vector.shape_cast %reduce_sum3A_780 : vector<1xf32> to vector<1x1x1xf32>
      %reduce_sum3A_782 = vector.extract %reduce_sum3A_781[0, 0, 0] : f32 from vector<1x1x1xf32>
      %add3A_783 = arith.addf %add3A_634, %reduce_sum3A_782 : f32
      %get3A_784 = arith.constant 768 : index
      %get3A_785 = arith.constant 0 : index
      %get3A_786 = vector.load %arg14[%get3A_784, %get3A_785] : memref<2048x1xf32, #tpu.memory_space<vmem>>, vector<256x1xf32>
      %sub3A_787 = arith.constant 1.000000e+00 : f32
      %sub3A_788 = vector.broadcast %sub3A_787 : f32 to vector<256x1xf32>
      %sub3A_789 = arith.subf %sub3A_788, %convert_element_type3A_692 : vector<256x1xf32>
      %max3A_790 = arith.constant 0.000000e+00 : f32
      %max3A_791 = vector.broadcast %max3A_790 : f32 to vector<256x1xf32>
      %max3A_792 = arith.maximumf %get3A_786, %max3A_791 : vector<256x1xf32>
      %mul3A_793 = arith.mulf %get3A_786, %sub3A_789 : vector<256x1xf32>
      %sub3A_794 = arith.subf %max3A_792, %mul3A_793 : vector<256x1xf32>
      %abs3A_795 = math.absf %get3A_786 : vector<256x1xf32>
      %neg3A_796 = arith.constant 0.000000e+00 : f32
      %neg3A_797 = vector.broadcast %neg3A_796 : f32 to vector<256x1xf32>
      %neg3A_798 = arith.subf %neg3A_797, %abs3A_795 : vector<256x1xf32>
      %exp3A_799 = math.exp %neg3A_798 : vector<256x1xf32>
      %log1p3A_800 = math.log1p %exp3A_799 : vector<256x1xf32>
      %add3A_801 = arith.addf %sub3A_794, %log1p3A_800 : vector<256x1xf32>
      %reduce_sum3A_802 = vector.shape_cast %add3A_801 : vector<256x1xf32> to vector<1x256x1xf32>
      %reduce_sum3A_803 = arith.constant dense<0.000000e+00> : vector<1xf32>
      %reduce_sum3A_804 = vector.multi_reduction <add>, %reduce_sum3A_802, %reduce_sum3A_803 [1, 2] : vector<1x256x1xf32> to vector<1xf32>
      %reduce_sum3A_805 = vector.shape_cast %reduce_sum3A_804 : vector<1xf32> to vector<1x1x1xf32>
      %reduce_sum3A_806 = vector.extract %reduce_sum3A_805[0, 0, 0] : f32 from vector<1x1x1xf32>
      %add3A_807 = arith.addf %add3A_658, %reduce_sum3A_806 : f32
      %iota3A_808 = tpu.iota {dimensions = array<i32: 0>} : vector<256x1280xi32>
      %add3A_809 = arith.constant 1024 : i32
      %add3A_810 = vector.broadcast %add3A_809 : i32 to vector<256x1280xi32>
      %add3A_811 = arith.addi %add3A_810, %iota3A_808 : vector<256x1280xi32>
      %convert_element_type3A_812 = arith.sitofp %add3A_811 : vector<256x1280xi32> to vector<256x1280xf32>
      %eq3A_813 = vector.broadcast %add3A_173 : vector<1x1280xf32> to vector<256x1280xf32>
      %eq3A_814 = arith.cmpf oeq, %convert_element_type3A_812, %eq3A_813 : vector<256x1280xf32>
      %and3A_815 = vector.broadcast %lt3A_166 : vector<1x1280xi1> to vector<256x1280xi1>
      %and3A_816 = arith.andi %eq3A_814, %and3A_815 : vector<256x1280xi1>
      %convert_element_type3A_817 = arith.extui %and3A_816 : vector<256x1280xi1> to vector<256x1280xi32>
      %convert_element_type3A_818 = arith.sitofp %convert_element_type3A_817 : vector<256x1280xi32> to vector<256x1280xf32>
      %dot_general3A_819 = arith.constant dense<0.000000e+00> : vector<256x10xf32>
      %dot_general3A_820 = tpu.matmul %convert_element_type3A_818, %concatenate3A, %dot_general3A_819 {dimension_numbers = #tpu.dot_dimension_numbers<[1], [0], [0], [1], [0, 0, 1, 1], [], []>, transpose_lhs_hint = false} : vector<256x1280xf32>, vector<1280x10xf32>, vector<256x10xf32> -> vector<256x10xf32>
      %iota3A_821 = tpu.iota {dimensions = array<i32: 0>} : vector<256x1xi32>
      %add3A_822 = arith.constant 1024 : i32
      %add3A_823 = vector.broadcast %add3A_822 : i32 to vector<256x1xi32>
      %add3A_824 = arith.addi %add3A_823, %iota3A_821 : vector<256x1xi32>
      %shift_right_logical3A_825 = arith.constant 6 : i32
      %shift_right_logical3A_826 = vector.broadcast %shift_right_logical3A_825 : i32 to vector<256x1xi32>
      %shift_right_logical3A_827 = arith.shrui %add3A_824, %shift_right_logical3A_826 : vector<256x1xi32>
      %convert_element_type3A_828 = arith.sitofp %shift_right_logical3A_827 : vector<256x1xi32> to vector<256x1xf32>
      %iota3A_829 = tpu.iota {dimensions = array<i32: 1>} : vector<256x64xi32>
      %and3A_830 = arith.constant 63 : i32
      %and3A_831 = vector.broadcast %and3A_830 : i32 to vector<256x1xi32>
      %and3A_832 = arith.andi %add3A_824, %and3A_831 : vector<256x1xi32>
      %eq3A_833 = vector.broadcast %and3A_832 : vector<256x1xi32> to vector<256x64xi32>
      %eq3A_834 = arith.cmpi eq, %iota3A_829, %eq3A_833 : vector<256x64xi32>
      %convert_element_type3A_835 = arith.extui %eq3A_834 : vector<256x64xi1> to vector<256x64xi32>
      %convert_element_type3A_836 = arith.sitofp %convert_element_type3A_835 : vector<256x64xi32> to vector<256x64xf32>
      %dot_general3A_837 = arith.constant dense<0.000000e+00> : vector<256x1xf32>
      %dot_general3A_838 = tpu.matmul %convert_element_type3A_836, %broadcast_in_dim3A_212, %dot_general3A_837 {dimension_numbers = #tpu.dot_dimension_numbers<[1], [0], [0], [1], [0, 0, 1, 1], [], []>, transpose_lhs_hint = false} : vector<256x64xf32>, vector<64x1xf32>, vector<256x1xf32> -> vector<256x1xf32>
      %lt3A_839 = arith.cmpf olt, %convert_element_type3A_828, %dot_general3A_838 : vector<256x1xf32>
      %convert_element_type3A_840 = arith.extui %lt3A_839 : vector<256x1xi1> to vector<256x1xi32>
      %convert_element_type3A_841 = arith.sitofp %convert_element_type3A_840 : vector<256x1xi32> to vector<256x1xf32>
      %reduce_sum3A_842 = vector.shape_cast %convert_element_type3A_841 : vector<256x1xf32> to vector<1x256x1xf32>
      %reduce_sum3A_843 = arith.constant dense<0.000000e+00> : vector<1xf32>
      %reduce_sum3A_844 = vector.multi_reduction <add>, %reduce_sum3A_842, %reduce_sum3A_843 [1, 2] : vector<1x256x1xf32> to vector<1xf32>
      %reduce_sum3A_845 = vector.shape_cast %reduce_sum3A_844 : vector<1xf32> to vector<1x1x1xf32>
      %reduce_sum3A_846 = vector.extract %reduce_sum3A_845[0, 0, 0] : f32 from vector<1x1x1xf32>
      %add3A_847 = arith.addf %add3A_698, %reduce_sum3A_846 : f32
      %get3A_848 = arith.constant 1024 : index
      %get3A_849 = arith.constant 0 : index
      %get3A_850 = vector.load %arg10[%get3A_848, %get3A_849] : memref<2048x3xf32, #tpu.memory_space<vmem>>, vector<256x3xf32>
      %mul3A_851 = arith.mulf %get3A_850, %get3A_850 : vector<256x3xf32>
      %reduce_sum3A_852 = arith.constant dense<0.000000e+00> : vector<256xf32>
      %reduce_sum3A_853 = vector.multi_reduction <add>, %mul3A_851, %reduce_sum3A_852 [1] : vector<256x3xf32> to vector<256xf32>
      %broadcast_in_dim3A_854 = vector.shape_cast %reduce_sum3A_853 : vector<256xf32> to vector<256x1xf32>
      %sqrt3A_855 = math.sqrt %broadcast_in_dim3A_854 : vector<256x1xf32>
      %max3A_856 = arith.constant 9.99999993E-9 : f32
      %max3A_857 = vector.broadcast %max3A_856 : f32 to vector<256x1xf32>
      %max3A_858 = arith.maximumf %sqrt3A_855, %max3A_857 : vector<256x1xf32>
      %div3A_859 = vector.broadcast %max3A_858 : vector<256x1xf32> to vector<256x3xf32>
      %div3A_860 = arith.divf %get3A_850, %div3A_859 : vector<256x3xf32>
      %slice3A_861 = vector.extract_strided_slice %dot_general3A_820 {offsets = [0, 0], sizes = [256, 3], strides = [1, 1]} : vector<256x10xf32> to vector<256x3xf32>
      %mul3A_862 = arith.mulf %div3A_860, %slice3A_861 : vector<256x3xf32>
      %reduce_sum3A_863 = arith.constant dense<0.000000e+00> : vector<256xf32>
      %reduce_sum3A_864 = vector.multi_reduction <add>, %mul3A_862, %reduce_sum3A_863 [1] : vector<256x3xf32> to vector<256xf32>
      %broadcast_in_dim3A_865 = vector.shape_cast %reduce_sum3A_864 : vector<256xf32> to vector<256x1xf32>
      %sub3A_866 = arith.constant 1.000000e+00 : f32
      %sub3A_867 = vector.broadcast %sub3A_866 : f32 to vector<256x1xf32>
      %sub3A_868 = arith.subf %sub3A_867, %broadcast_in_dim3A_865 : vector<256x1xf32>
      %mul3A_869 = arith.mulf %sub3A_868, %convert_element_type3A_841 : vector<256x1xf32>
      %reduce_sum3A_870 = vector.shape_cast %mul3A_869 : vector<256x1xf32> to vector<1x256x1xf32>
      %reduce_sum3A_871 = arith.constant dense<0.000000e+00> : vector<1xf32>
      %reduce_sum3A_872 = vector.multi_reduction <add>, %reduce_sum3A_870, %reduce_sum3A_871 [1, 2] : vector<1x256x1xf32> to vector<1xf32>
      %reduce_sum3A_873 = vector.shape_cast %reduce_sum3A_872 : vector<1xf32> to vector<1x1x1xf32>
      %reduce_sum3A_874 = vector.extract %reduce_sum3A_873[0, 0, 0] : f32 from vector<1x1x1xf32>
      %add3A_875 = arith.addf %add3A_726, %reduce_sum3A_874 : f32
      %get3A_876 = arith.constant 1024 : index
      %get3A_877 = arith.constant 0 : index
      %get3A_878 = vector.load %arg11[%get3A_876, %get3A_877] : memref<2048x1xf32, #tpu.memory_space<vmem>>, vector<256x1xf32>
      %slice3A_879 = vector.extract_strided_slice %dot_general3A_820 {offsets = [0, 3], sizes = [256, 1], strides = [1, 1]} : vector<256x10xf32> to vector<256x1xf32>
      %sub3A_880 = arith.subf %get3A_878, %slice3A_879 : vector<256x1xf32>
      %mul3A_881 = arith.mulf %sub3A_880, %sub3A_880 : vector<256x1xf32>
      %mul3A_882 = arith.mulf %mul3A_881, %convert_element_type3A_841 : vector<256x1xf32>
      %reduce_sum3A_883 = vector.shape_cast %mul3A_882 : vector<256x1xf32> to vector<1x256x1xf32>
      %reduce_sum3A_884 = arith.constant dense<0.000000e+00> : vector<1xf32>
      %reduce_sum3A_885 = vector.multi_reduction <add>, %reduce_sum3A_883, %reduce_sum3A_884 [1, 2] : vector<1x256x1xf32> to vector<1xf32>
      %reduce_sum3A_886 = vector.shape_cast %reduce_sum3A_885 : vector<1xf32> to vector<1x1x1xf32>
      %reduce_sum3A_887 = vector.extract %reduce_sum3A_886[0, 0, 0] : f32 from vector<1x1x1xf32>
      %add3A_888 = arith.addf %add3A_739, %reduce_sum3A_887 : f32
      %get3A_889 = arith.constant 1024 : index
      %get3A_890 = arith.constant 0 : index
      %get3A_891 = vector.load %arg12[%get3A_889, %get3A_890] : memref<2048x5xf32, #tpu.memory_space<vmem>>, vector<256x5xf32>
      %reduce_max3A_892 = arith.constant dense<0xFF800000> : vector<256xf32>
      %reduce_max3A_893 = vector.multi_reduction <maximumf>, %get3A_891, %reduce_max3A_892 [1] : vector<256x5xf32> to vector<256xf32>
      %broadcast_in_dim3A_894 = vector.shape_cast %reduce_max3A_893 : vector<256xf32> to vector<256x1xf32>
      %sub3A_895 = vector.broadcast %broadcast_in_dim3A_894 : vector<256x1xf32> to vector<256x5xf32>
      %sub3A_896 = arith.subf %get3A_891, %sub3A_895 : vector<256x5xf32>
      %exp3A_897 = math.exp %sub3A_896 : vector<256x5xf32>
      %reduce_sum3A_898 = arith.constant dense<0.000000e+00> : vector<256xf32>
      %reduce_sum3A_899 = vector.multi_reduction <add>, %exp3A_897, %reduce_sum3A_898 [1] : vector<256x5xf32> to vector<256xf32>
      %broadcast_in_dim3A_900 = vector.shape_cast %reduce_sum3A_899 : vector<256xf32> to vector<256x1xf32>
      %log3A_901 = math.log %broadcast_in_dim3A_900 : vector<256x1xf32>
      %add3A_902 = arith.addf %broadcast_in_dim3A_894, %log3A_901 : vector<256x1xf32>
      %sub3A_903 = vector.broadcast %add3A_902 : vector<256x1xf32> to vector<256x5xf32>
      %sub3A_904 = arith.subf %get3A_891, %sub3A_903 : vector<256x5xf32>
      %slice3A_905 = vector.extract_strided_slice %dot_general3A_820 {offsets = [0, 4], sizes = [256, 5], strides = [1, 1]} : vector<256x10xf32> to vector<256x5xf32>
      %mul3A_906 = arith.mulf %sub3A_904, %slice3A_905 : vector<256x5xf32>
      %reduce_sum3A_907 = arith.constant dense<0.000000e+00> : vector<256xf32>
      %reduce_sum3A_908 = vector.multi_reduction <add>, %mul3A_906, %reduce_sum3A_907 [1] : vector<256x5xf32> to vector<256xf32>
      %broadcast_in_dim3A_909 = vector.shape_cast %reduce_sum3A_908 : vector<256xf32> to vector<256x1xf32>
      %neg3A_910 = arith.constant 0.000000e+00 : f32
      %neg3A_911 = vector.broadcast %neg3A_910 : f32 to vector<256x1xf32>
      %neg3A_912 = arith.subf %neg3A_911, %broadcast_in_dim3A_909 : vector<256x1xf32>
      %mul3A_913 = arith.mulf %neg3A_912, %convert_element_type3A_841 : vector<256x1xf32>
      %reduce_sum3A_914 = vector.shape_cast %mul3A_913 : vector<256x1xf32> to vector<1x256x1xf32>
      %reduce_sum3A_915 = arith.constant dense<0.000000e+00> : vector<1xf32>
      %reduce_sum3A_916 = vector.multi_reduction <add>, %reduce_sum3A_914, %reduce_sum3A_915 [1, 2] : vector<1x256x1xf32> to vector<1xf32>
      %reduce_sum3A_917 = vector.shape_cast %reduce_sum3A_916 : vector<1xf32> to vector<1x1x1xf32>
      %reduce_sum3A_918 = vector.extract %reduce_sum3A_917[0, 0, 0] : f32 from vector<1x1x1xf32>
      %add3A_919 = arith.addf %add3A_770, %reduce_sum3A_918 : f32
      %get3A_920 = arith.constant 1024 : index
      %get3A_921 = arith.constant 0 : index
      %get3A_922 = vector.load %arg13[%get3A_920, %get3A_921] : memref<2048x1xf32, #tpu.memory_space<vmem>>, vector<256x1xf32>
      %slice3A_923 = vector.extract_strided_slice %dot_general3A_820 {offsets = [0, 9], sizes = [256, 1], strides = [1, 1]} : vector<256x10xf32> to vector<256x1xf32>
      %sub3A_924 = arith.subf %get3A_922, %slice3A_923 : vector<256x1xf32>
      %mul3A_925 = arith.mulf %sub3A_924, %sub3A_924 : vector<256x1xf32>
      %mul3A_926 = arith.mulf %mul3A_925, %convert_element_type3A_841 : vector<256x1xf32>
      %reduce_sum3A_927 = vector.shape_cast %mul3A_926 : vector<256x1xf32> to vector<1x256x1xf32>
      %reduce_sum3A_928 = arith.constant dense<0.000000e+00> : vector<1xf32>
      %reduce_sum3A_929 = vector.multi_reduction <add>, %reduce_sum3A_927, %reduce_sum3A_928 [1, 2] : vector<1x256x1xf32> to vector<1xf32>
      %reduce_sum3A_930 = vector.shape_cast %reduce_sum3A_929 : vector<1xf32> to vector<1x1x1xf32>
      %reduce_sum3A_931 = vector.extract %reduce_sum3A_930[0, 0, 0] : f32 from vector<1x1x1xf32>
      %add3A_932 = arith.addf %add3A_783, %reduce_sum3A_931 : f32
      %get3A_933 = arith.constant 1024 : index
      %get3A_934 = arith.constant 0 : index
      %get3A_935 = vector.load %arg14[%get3A_933, %get3A_934] : memref<2048x1xf32, #tpu.memory_space<vmem>>, vector<256x1xf32>
      %sub3A_936 = arith.constant 1.000000e+00 : f32
      %sub3A_937 = vector.broadcast %sub3A_936 : f32 to vector<256x1xf32>
      %sub3A_938 = arith.subf %sub3A_937, %convert_element_type3A_841 : vector<256x1xf32>
      %max3A_939 = arith.constant 0.000000e+00 : f32
      %max3A_940 = vector.broadcast %max3A_939 : f32 to vector<256x1xf32>
      %max3A_941 = arith.maximumf %get3A_935, %max3A_940 : vector<256x1xf32>
      %mul3A_942 = arith.mulf %get3A_935, %sub3A_938 : vector<256x1xf32>
      %sub3A_943 = arith.subf %max3A_941, %mul3A_942 : vector<256x1xf32>
      %abs3A_944 = math.absf %get3A_935 : vector<256x1xf32>
      %neg3A_945 = arith.constant 0.000000e+00 : f32
      %neg3A_946 = vector.broadcast %neg3A_945 : f32 to vector<256x1xf32>
      %neg3A_947 = arith.subf %neg3A_946, %abs3A_944 : vector<256x1xf32>
      %exp3A_948 = math.exp %neg3A_947 : vector<256x1xf32>
      %log1p3A_949 = math.log1p %exp3A_948 : vector<256x1xf32>
      %add3A_950 = arith.addf %sub3A_943, %log1p3A_949 : vector<256x1xf32>
      %reduce_sum3A_951 = vector.shape_cast %add3A_950 : vector<256x1xf32> to vector<1x256x1xf32>
      %reduce_sum3A_952 = arith.constant dense<0.000000e+00> : vector<1xf32>
      %reduce_sum3A_953 = vector.multi_reduction <add>, %reduce_sum3A_951, %reduce_sum3A_952 [1, 2] : vector<1x256x1xf32> to vector<1xf32>
      %reduce_sum3A_954 = vector.shape_cast %reduce_sum3A_953 : vector<1xf32> to vector<1x1x1xf32>
      %reduce_sum3A_955 = vector.extract %reduce_sum3A_954[0, 0, 0] : f32 from vector<1x1x1xf32>
      %add3A_956 = arith.addf %add3A_807, %reduce_sum3A_955 : f32
      %iota3A_957 = tpu.iota {dimensions = array<i32: 0>} : vector<256x1280xi32>
      %add3A_958 = arith.constant 1280 : i32
      %add3A_959 = vector.broadcast %add3A_958 : i32 to vector<256x1280xi32>
      %add3A_960 = arith.addi %add3A_959, %iota3A_957 : vector<256x1280xi32>
      %convert_element_type3A_961 = arith.sitofp %add3A_960 : vector<256x1280xi32> to vector<256x1280xf32>
      %eq3A_962 = vector.broadcast %add3A_173 : vector<1x1280xf32> to vector<256x1280xf32>
      %eq3A_963 = arith.cmpf oeq, %convert_element_type3A_961, %eq3A_962 : vector<256x1280xf32>
      %and3A_964 = vector.broadcast %lt3A_166 : vector<1x1280xi1> to vector<256x1280xi1>
      %and3A_965 = arith.andi %eq3A_963, %and3A_964 : vector<256x1280xi1>
      %convert_element_type3A_966 = arith.extui %and3A_965 : vector<256x1280xi1> to vector<256x1280xi32>
      %convert_element_type3A_967 = arith.sitofp %convert_element_type3A_966 : vector<256x1280xi32> to vector<256x1280xf32>
      %dot_general3A_968 = arith.constant dense<0.000000e+00> : vector<256x10xf32>
      %dot_general3A_969 = tpu.matmul %convert_element_type3A_967, %concatenate3A, %dot_general3A_968 {dimension_numbers = #tpu.dot_dimension_numbers<[1], [0], [0], [1], [0, 0, 1, 1], [], []>, transpose_lhs_hint = false} : vector<256x1280xf32>, vector<1280x10xf32>, vector<256x10xf32> -> vector<256x10xf32>
      %iota3A_970 = tpu.iota {dimensions = array<i32: 0>} : vector<256x1xi32>
      %add3A_971 = arith.constant 1280 : i32
      %add3A_972 = vector.broadcast %add3A_971 : i32 to vector<256x1xi32>
      %add3A_973 = arith.addi %add3A_972, %iota3A_970 : vector<256x1xi32>
      %shift_right_logical3A_974 = arith.constant 6 : i32
      %shift_right_logical3A_975 = vector.broadcast %shift_right_logical3A_974 : i32 to vector<256x1xi32>
      %shift_right_logical3A_976 = arith.shrui %add3A_973, %shift_right_logical3A_975 : vector<256x1xi32>
      %convert_element_type3A_977 = arith.sitofp %shift_right_logical3A_976 : vector<256x1xi32> to vector<256x1xf32>
      %iota3A_978 = tpu.iota {dimensions = array<i32: 1>} : vector<256x64xi32>
      %and3A_979 = arith.constant 63 : i32
      %and3A_980 = vector.broadcast %and3A_979 : i32 to vector<256x1xi32>
      %and3A_981 = arith.andi %add3A_973, %and3A_980 : vector<256x1xi32>
      %eq3A_982 = vector.broadcast %and3A_981 : vector<256x1xi32> to vector<256x64xi32>
      %eq3A_983 = arith.cmpi eq, %iota3A_978, %eq3A_982 : vector<256x64xi32>
      %convert_element_type3A_984 = arith.extui %eq3A_983 : vector<256x64xi1> to vector<256x64xi32>
      %convert_element_type3A_985 = arith.sitofp %convert_element_type3A_984 : vector<256x64xi32> to vector<256x64xf32>
      %dot_general3A_986 = arith.constant dense<0.000000e+00> : vector<256x1xf32>
      %dot_general3A_987 = tpu.matmul %convert_element_type3A_985, %broadcast_in_dim3A_212, %dot_general3A_986 {dimension_numbers = #tpu.dot_dimension_numbers<[1], [0], [0], [1], [0, 0, 1, 1], [], []>, transpose_lhs_hint = false} : vector<256x64xf32>, vector<64x1xf32>, vector<256x1xf32> -> vector<256x1xf32>
      %lt3A_988 = arith.cmpf olt, %convert_element_type3A_977, %dot_general3A_987 : vector<256x1xf32>
      %convert_element_type3A_989 = arith.extui %lt3A_988 : vector<256x1xi1> to vector<256x1xi32>
      %convert_element_type3A_990 = arith.sitofp %convert_element_type3A_989 : vector<256x1xi32> to vector<256x1xf32>
      %reduce_sum3A_991 = vector.shape_cast %convert_element_type3A_990 : vector<256x1xf32> to vector<1x256x1xf32>
      %reduce_sum3A_992 = arith.constant dense<0.000000e+00> : vector<1xf32>
      %reduce_sum3A_993 = vector.multi_reduction <add>, %reduce_sum3A_991, %reduce_sum3A_992 [1, 2] : vector<1x256x1xf32> to vector<1xf32>
      %reduce_sum3A_994 = vector.shape_cast %reduce_sum3A_993 : vector<1xf32> to vector<1x1x1xf32>
      %reduce_sum3A_995 = vector.extract %reduce_sum3A_994[0, 0, 0] : f32 from vector<1x1x1xf32>
      %add3A_996 = arith.addf %add3A_847, %reduce_sum3A_995 : f32
      %get3A_997 = arith.constant 1280 : index
      %get3A_998 = arith.constant 0 : index
      %get3A_999 = vector.load %arg10[%get3A_997, %get3A_998] : memref<2048x3xf32, #tpu.memory_space<vmem>>, vector<256x3xf32>
      %mul3A_1000 = arith.mulf %get3A_999, %get3A_999 : vector<256x3xf32>
      %reduce_sum3A_1001 = arith.constant dense<0.000000e+00> : vector<256xf32>
      %reduce_sum3A_1002 = vector.multi_reduction <add>, %mul3A_1000, %reduce_sum3A_1001 [1] : vector<256x3xf32> to vector<256xf32>
      %broadcast_in_dim3A_1003 = vector.shape_cast %reduce_sum3A_1002 : vector<256xf32> to vector<256x1xf32>
      %sqrt3A_1004 = math.sqrt %broadcast_in_dim3A_1003 : vector<256x1xf32>
      %max3A_1005 = arith.constant 9.99999993E-9 : f32
      %max3A_1006 = vector.broadcast %max3A_1005 : f32 to vector<256x1xf32>
      %max3A_1007 = arith.maximumf %sqrt3A_1004, %max3A_1006 : vector<256x1xf32>
      %div3A_1008 = vector.broadcast %max3A_1007 : vector<256x1xf32> to vector<256x3xf32>
      %div3A_1009 = arith.divf %get3A_999, %div3A_1008 : vector<256x3xf32>
      %slice3A_1010 = vector.extract_strided_slice %dot_general3A_969 {offsets = [0, 0], sizes = [256, 3], strides = [1, 1]} : vector<256x10xf32> to vector<256x3xf32>
      %mul3A_1011 = arith.mulf %div3A_1009, %slice3A_1010 : vector<256x3xf32>
      %reduce_sum3A_1012 = arith.constant dense<0.000000e+00> : vector<256xf32>
      %reduce_sum3A_1013 = vector.multi_reduction <add>, %mul3A_1011, %reduce_sum3A_1012 [1] : vector<256x3xf32> to vector<256xf32>
      %broadcast_in_dim3A_1014 = vector.shape_cast %reduce_sum3A_1013 : vector<256xf32> to vector<256x1xf32>
      %sub3A_1015 = arith.constant 1.000000e+00 : f32
      %sub3A_1016 = vector.broadcast %sub3A_1015 : f32 to vector<256x1xf32>
      %sub3A_1017 = arith.subf %sub3A_1016, %broadcast_in_dim3A_1014 : vector<256x1xf32>
      %mul3A_1018 = arith.mulf %sub3A_1017, %convert_element_type3A_990 : vector<256x1xf32>
      %reduce_sum3A_1019 = vector.shape_cast %mul3A_1018 : vector<256x1xf32> to vector<1x256x1xf32>
      %reduce_sum3A_1020 = arith.constant dense<0.000000e+00> : vector<1xf32>
      %reduce_sum3A_1021 = vector.multi_reduction <add>, %reduce_sum3A_1019, %reduce_sum3A_1020 [1, 2] : vector<1x256x1xf32> to vector<1xf32>
      %reduce_sum3A_1022 = vector.shape_cast %reduce_sum3A_1021 : vector<1xf32> to vector<1x1x1xf32>
      %reduce_sum3A_1023 = vector.extract %reduce_sum3A_1022[0, 0, 0] : f32 from vector<1x1x1xf32>
      %add3A_1024 = arith.addf %add3A_875, %reduce_sum3A_1023 : f32
      %get3A_1025 = arith.constant 1280 : index
      %get3A_1026 = arith.constant 0 : index
      %get3A_1027 = vector.load %arg11[%get3A_1025, %get3A_1026] : memref<2048x1xf32, #tpu.memory_space<vmem>>, vector<256x1xf32>
      %slice3A_1028 = vector.extract_strided_slice %dot_general3A_969 {offsets = [0, 3], sizes = [256, 1], strides = [1, 1]} : vector<256x10xf32> to vector<256x1xf32>
      %sub3A_1029 = arith.subf %get3A_1027, %slice3A_1028 : vector<256x1xf32>
      %mul3A_1030 = arith.mulf %sub3A_1029, %sub3A_1029 : vector<256x1xf32>
      %mul3A_1031 = arith.mulf %mul3A_1030, %convert_element_type3A_990 : vector<256x1xf32>
      %reduce_sum3A_1032 = vector.shape_cast %mul3A_1031 : vector<256x1xf32> to vector<1x256x1xf32>
      %reduce_sum3A_1033 = arith.constant dense<0.000000e+00> : vector<1xf32>
      %reduce_sum3A_1034 = vector.multi_reduction <add>, %reduce_sum3A_1032, %reduce_sum3A_1033 [1, 2] : vector<1x256x1xf32> to vector<1xf32>
      %reduce_sum3A_1035 = vector.shape_cast %reduce_sum3A_1034 : vector<1xf32> to vector<1x1x1xf32>
      %reduce_sum3A_1036 = vector.extract %reduce_sum3A_1035[0, 0, 0] : f32 from vector<1x1x1xf32>
      %add3A_1037 = arith.addf %add3A_888, %reduce_sum3A_1036 : f32
      %get3A_1038 = arith.constant 1280 : index
      %get3A_1039 = arith.constant 0 : index
      %get3A_1040 = vector.load %arg12[%get3A_1038, %get3A_1039] : memref<2048x5xf32, #tpu.memory_space<vmem>>, vector<256x5xf32>
      %reduce_max3A_1041 = arith.constant dense<0xFF800000> : vector<256xf32>
      %reduce_max3A_1042 = vector.multi_reduction <maximumf>, %get3A_1040, %reduce_max3A_1041 [1] : vector<256x5xf32> to vector<256xf32>
      %broadcast_in_dim3A_1043 = vector.shape_cast %reduce_max3A_1042 : vector<256xf32> to vector<256x1xf32>
      %sub3A_1044 = vector.broadcast %broadcast_in_dim3A_1043 : vector<256x1xf32> to vector<256x5xf32>
      %sub3A_1045 = arith.subf %get3A_1040, %sub3A_1044 : vector<256x5xf32>
      %exp3A_1046 = math.exp %sub3A_1045 : vector<256x5xf32>
      %reduce_sum3A_1047 = arith.constant dense<0.000000e+00> : vector<256xf32>
      %reduce_sum3A_1048 = vector.multi_reduction <add>, %exp3A_1046, %reduce_sum3A_1047 [1] : vector<256x5xf32> to vector<256xf32>
      %broadcast_in_dim3A_1049 = vector.shape_cast %reduce_sum3A_1048 : vector<256xf32> to vector<256x1xf32>
      %log3A_1050 = math.log %broadcast_in_dim3A_1049 : vector<256x1xf32>
      %add3A_1051 = arith.addf %broadcast_in_dim3A_1043, %log3A_1050 : vector<256x1xf32>
      %sub3A_1052 = vector.broadcast %add3A_1051 : vector<256x1xf32> to vector<256x5xf32>
      %sub3A_1053 = arith.subf %get3A_1040, %sub3A_1052 : vector<256x5xf32>
      %slice3A_1054 = vector.extract_strided_slice %dot_general3A_969 {offsets = [0, 4], sizes = [256, 5], strides = [1, 1]} : vector<256x10xf32> to vector<256x5xf32>
      %mul3A_1055 = arith.mulf %sub3A_1053, %slice3A_1054 : vector<256x5xf32>
      %reduce_sum3A_1056 = arith.constant dense<0.000000e+00> : vector<256xf32>
      %reduce_sum3A_1057 = vector.multi_reduction <add>, %mul3A_1055, %reduce_sum3A_1056 [1] : vector<256x5xf32> to vector<256xf32>
      %broadcast_in_dim3A_1058 = vector.shape_cast %reduce_sum3A_1057 : vector<256xf32> to vector<256x1xf32>
      %neg3A_1059 = arith.constant 0.000000e+00 : f32
      %neg3A_1060 = vector.broadcast %neg3A_1059 : f32 to vector<256x1xf32>
      %neg3A_1061 = arith.subf %neg3A_1060, %broadcast_in_dim3A_1058 : vector<256x1xf32>
      %mul3A_1062 = arith.mulf %neg3A_1061, %convert_element_type3A_990 : vector<256x1xf32>
      %reduce_sum3A_1063 = vector.shape_cast %mul3A_1062 : vector<256x1xf32> to vector<1x256x1xf32>
      %reduce_sum3A_1064 = arith.constant dense<0.000000e+00> : vector<1xf32>
      %reduce_sum3A_1065 = vector.multi_reduction <add>, %reduce_sum3A_1063, %reduce_sum3A_1064 [1, 2] : vector<1x256x1xf32> to vector<1xf32>
      %reduce_sum3A_1066 = vector.shape_cast %reduce_sum3A_1065 : vector<1xf32> to vector<1x1x1xf32>
      %reduce_sum3A_1067 = vector.extract %reduce_sum3A_1066[0, 0, 0] : f32 from vector<1x1x1xf32>
      %add3A_1068 = arith.addf %add3A_919, %reduce_sum3A_1067 : f32
      %get3A_1069 = arith.constant 1280 : index
      %get3A_1070 = arith.constant 0 : index
      %get3A_1071 = vector.load %arg13[%get3A_1069, %get3A_1070] : memref<2048x1xf32, #tpu.memory_space<vmem>>, vector<256x1xf32>
      %slice3A_1072 = vector.extract_strided_slice %dot_general3A_969 {offsets = [0, 9], sizes = [256, 1], strides = [1, 1]} : vector<256x10xf32> to vector<256x1xf32>
      %sub3A_1073 = arith.subf %get3A_1071, %slice3A_1072 : vector<256x1xf32>
      %mul3A_1074 = arith.mulf %sub3A_1073, %sub3A_1073 : vector<256x1xf32>
      %mul3A_1075 = arith.mulf %mul3A_1074, %convert_element_type3A_990 : vector<256x1xf32>
      %reduce_sum3A_1076 = vector.shape_cast %mul3A_1075 : vector<256x1xf32> to vector<1x256x1xf32>
      %reduce_sum3A_1077 = arith.constant dense<0.000000e+00> : vector<1xf32>
      %reduce_sum3A_1078 = vector.multi_reduction <add>, %reduce_sum3A_1076, %reduce_sum3A_1077 [1, 2] : vector<1x256x1xf32> to vector<1xf32>
      %reduce_sum3A_1079 = vector.shape_cast %reduce_sum3A_1078 : vector<1xf32> to vector<1x1x1xf32>
      %reduce_sum3A_1080 = vector.extract %reduce_sum3A_1079[0, 0, 0] : f32 from vector<1x1x1xf32>
      %add3A_1081 = arith.addf %add3A_932, %reduce_sum3A_1080 : f32
      %get3A_1082 = arith.constant 1280 : index
      %get3A_1083 = arith.constant 0 : index
      %get3A_1084 = vector.load %arg14[%get3A_1082, %get3A_1083] : memref<2048x1xf32, #tpu.memory_space<vmem>>, vector<256x1xf32>
      %sub3A_1085 = arith.constant 1.000000e+00 : f32
      %sub3A_1086 = vector.broadcast %sub3A_1085 : f32 to vector<256x1xf32>
      %sub3A_1087 = arith.subf %sub3A_1086, %convert_element_type3A_990 : vector<256x1xf32>
      %max3A_1088 = arith.constant 0.000000e+00 : f32
      %max3A_1089 = vector.broadcast %max3A_1088 : f32 to vector<256x1xf32>
      %max3A_1090 = arith.maximumf %get3A_1084, %max3A_1089 : vector<256x1xf32>
      %mul3A_1091 = arith.mulf %get3A_1084, %sub3A_1087 : vector<256x1xf32>
      %sub3A_1092 = arith.subf %max3A_1090, %mul3A_1091 : vector<256x1xf32>
      %abs3A_1093 = math.absf %get3A_1084 : vector<256x1xf32>
      %neg3A_1094 = arith.constant 0.000000e+00 : f32
      %neg3A_1095 = vector.broadcast %neg3A_1094 : f32 to vector<256x1xf32>
      %neg3A_1096 = arith.subf %neg3A_1095, %abs3A_1093 : vector<256x1xf32>
      %exp3A_1097 = math.exp %neg3A_1096 : vector<256x1xf32>
      %log1p3A_1098 = math.log1p %exp3A_1097 : vector<256x1xf32>
      %add3A_1099 = arith.addf %sub3A_1092, %log1p3A_1098 : vector<256x1xf32>
      %reduce_sum3A_1100 = vector.shape_cast %add3A_1099 : vector<256x1xf32> to vector<1x256x1xf32>
      %reduce_sum3A_1101 = arith.constant dense<0.000000e+00> : vector<1xf32>
      %reduce_sum3A_1102 = vector.multi_reduction <add>, %reduce_sum3A_1100, %reduce_sum3A_1101 [1, 2] : vector<1x256x1xf32> to vector<1xf32>
      %reduce_sum3A_1103 = vector.shape_cast %reduce_sum3A_1102 : vector<1xf32> to vector<1x1x1xf32>
      %reduce_sum3A_1104 = vector.extract %reduce_sum3A_1103[0, 0, 0] : f32 from vector<1x1x1xf32>
      %add3A_1105 = arith.addf %add3A_956, %reduce_sum3A_1104 : f32
      %iota3A_1106 = tpu.iota {dimensions = array<i32: 0>} : vector<256x1280xi32>
      %add3A_1107 = arith.constant 1536 : i32
      %add3A_1108 = vector.broadcast %add3A_1107 : i32 to vector<256x1280xi32>
      %add3A_1109 = arith.addi %add3A_1108, %iota3A_1106 : vector<256x1280xi32>
      %convert_element_type3A_1110 = arith.sitofp %add3A_1109 : vector<256x1280xi32> to vector<256x1280xf32>
      %eq3A_1111 = vector.broadcast %add3A_173 : vector<1x1280xf32> to vector<256x1280xf32>
      %eq3A_1112 = arith.cmpf oeq, %convert_element_type3A_1110, %eq3A_1111 : vector<256x1280xf32>
      %and3A_1113 = vector.broadcast %lt3A_166 : vector<1x1280xi1> to vector<256x1280xi1>
      %and3A_1114 = arith.andi %eq3A_1112, %and3A_1113 : vector<256x1280xi1>
      %convert_element_type3A_1115 = arith.extui %and3A_1114 : vector<256x1280xi1> to vector<256x1280xi32>
      %convert_element_type3A_1116 = arith.sitofp %convert_element_type3A_1115 : vector<256x1280xi32> to vector<256x1280xf32>
      %dot_general3A_1117 = arith.constant dense<0.000000e+00> : vector<256x10xf32>
      %dot_general3A_1118 = tpu.matmul %convert_element_type3A_1116, %concatenate3A, %dot_general3A_1117 {dimension_numbers = #tpu.dot_dimension_numbers<[1], [0], [0], [1], [0, 0, 1, 1], [], []>, transpose_lhs_hint = false} : vector<256x1280xf32>, vector<1280x10xf32>, vector<256x10xf32> -> vector<256x10xf32>
      %iota3A_1119 = tpu.iota {dimensions = array<i32: 0>} : vector<256x1xi32>
      %add3A_1120 = arith.constant 1536 : i32
      %add3A_1121 = vector.broadcast %add3A_1120 : i32 to vector<256x1xi32>
      %add3A_1122 = arith.addi %add3A_1121, %iota3A_1119 : vector<256x1xi32>
      %shift_right_logical3A_1123 = arith.constant 6 : i32
      %shift_right_logical3A_1124 = vector.broadcast %shift_right_logical3A_1123 : i32 to vector<256x1xi32>
      %shift_right_logical3A_1125 = arith.shrui %add3A_1122, %shift_right_logical3A_1124 : vector<256x1xi32>
      %convert_element_type3A_1126 = arith.sitofp %shift_right_logical3A_1125 : vector<256x1xi32> to vector<256x1xf32>
      %iota3A_1127 = tpu.iota {dimensions = array<i32: 1>} : vector<256x64xi32>
      %and3A_1128 = arith.constant 63 : i32
      %and3A_1129 = vector.broadcast %and3A_1128 : i32 to vector<256x1xi32>
      %and3A_1130 = arith.andi %add3A_1122, %and3A_1129 : vector<256x1xi32>
      %eq3A_1131 = vector.broadcast %and3A_1130 : vector<256x1xi32> to vector<256x64xi32>
      %eq3A_1132 = arith.cmpi eq, %iota3A_1127, %eq3A_1131 : vector<256x64xi32>
      %convert_element_type3A_1133 = arith.extui %eq3A_1132 : vector<256x64xi1> to vector<256x64xi32>
      %convert_element_type3A_1134 = arith.sitofp %convert_element_type3A_1133 : vector<256x64xi32> to vector<256x64xf32>
      %dot_general3A_1135 = arith.constant dense<0.000000e+00> : vector<256x1xf32>
      %dot_general3A_1136 = tpu.matmul %convert_element_type3A_1134, %broadcast_in_dim3A_212, %dot_general3A_1135 {dimension_numbers = #tpu.dot_dimension_numbers<[1], [0], [0], [1], [0, 0, 1, 1], [], []>, transpose_lhs_hint = false} : vector<256x64xf32>, vector<64x1xf32>, vector<256x1xf32> -> vector<256x1xf32>
      %lt3A_1137 = arith.cmpf olt, %convert_element_type3A_1126, %dot_general3A_1136 : vector<256x1xf32>
      %convert_element_type3A_1138 = arith.extui %lt3A_1137 : vector<256x1xi1> to vector<256x1xi32>
      %convert_element_type3A_1139 = arith.sitofp %convert_element_type3A_1138 : vector<256x1xi32> to vector<256x1xf32>
      %reduce_sum3A_1140 = vector.shape_cast %convert_element_type3A_1139 : vector<256x1xf32> to vector<1x256x1xf32>
      %reduce_sum3A_1141 = arith.constant dense<0.000000e+00> : vector<1xf32>
      %reduce_sum3A_1142 = vector.multi_reduction <add>, %reduce_sum3A_1140, %reduce_sum3A_1141 [1, 2] : vector<1x256x1xf32> to vector<1xf32>
      %reduce_sum3A_1143 = vector.shape_cast %reduce_sum3A_1142 : vector<1xf32> to vector<1x1x1xf32>
      %reduce_sum3A_1144 = vector.extract %reduce_sum3A_1143[0, 0, 0] : f32 from vector<1x1x1xf32>
      %add3A_1145 = arith.addf %add3A_996, %reduce_sum3A_1144 : f32
      %get3A_1146 = arith.constant 1536 : index
      %get3A_1147 = arith.constant 0 : index
      %get3A_1148 = vector.load %arg10[%get3A_1146, %get3A_1147] : memref<2048x3xf32, #tpu.memory_space<vmem>>, vector<256x3xf32>
      %mul3A_1149 = arith.mulf %get3A_1148, %get3A_1148 : vector<256x3xf32>
      %reduce_sum3A_1150 = arith.constant dense<0.000000e+00> : vector<256xf32>
      %reduce_sum3A_1151 = vector.multi_reduction <add>, %mul3A_1149, %reduce_sum3A_1150 [1] : vector<256x3xf32> to vector<256xf32>
      %broadcast_in_dim3A_1152 = vector.shape_cast %reduce_sum3A_1151 : vector<256xf32> to vector<256x1xf32>
      %sqrt3A_1153 = math.sqrt %broadcast_in_dim3A_1152 : vector<256x1xf32>
      %max3A_1154 = arith.constant 9.99999993E-9 : f32
      %max3A_1155 = vector.broadcast %max3A_1154 : f32 to vector<256x1xf32>
      %max3A_1156 = arith.maximumf %sqrt3A_1153, %max3A_1155 : vector<256x1xf32>
      %div3A_1157 = vector.broadcast %max3A_1156 : vector<256x1xf32> to vector<256x3xf32>
      %div3A_1158 = arith.divf %get3A_1148, %div3A_1157 : vector<256x3xf32>
      %slice3A_1159 = vector.extract_strided_slice %dot_general3A_1118 {offsets = [0, 0], sizes = [256, 3], strides = [1, 1]} : vector<256x10xf32> to vector<256x3xf32>
      %mul3A_1160 = arith.mulf %div3A_1158, %slice3A_1159 : vector<256x3xf32>
      %reduce_sum3A_1161 = arith.constant dense<0.000000e+00> : vector<256xf32>
      %reduce_sum3A_1162 = vector.multi_reduction <add>, %mul3A_1160, %reduce_sum3A_1161 [1] : vector<256x3xf32> to vector<256xf32>
      %broadcast_in_dim3A_1163 = vector.shape_cast %reduce_sum3A_1162 : vector<256xf32> to vector<256x1xf32>
      %sub3A_1164 = arith.constant 1.000000e+00 : f32
      %sub3A_1165 = vector.broadcast %sub3A_1164 : f32 to vector<256x1xf32>
      %sub3A_1166 = arith.subf %sub3A_1165, %broadcast_in_dim3A_1163 : vector<256x1xf32>
      %mul3A_1167 = arith.mulf %sub3A_1166, %convert_element_type3A_1139 : vector<256x1xf32>
      %reduce_sum3A_1168 = vector.shape_cast %mul3A_1167 : vector<256x1xf32> to vector<1x256x1xf32>
      %reduce_sum3A_1169 = arith.constant dense<0.000000e+00> : vector<1xf32>
      %reduce_sum3A_1170 = vector.multi_reduction <add>, %reduce_sum3A_1168, %reduce_sum3A_1169 [1, 2] : vector<1x256x1xf32> to vector<1xf32>
      %reduce_sum3A_1171 = vector.shape_cast %reduce_sum3A_1170 : vector<1xf32> to vector<1x1x1xf32>
      %reduce_sum3A_1172 = vector.extract %reduce_sum3A_1171[0, 0, 0] : f32 from vector<1x1x1xf32>
      %add3A_1173 = arith.addf %add3A_1024, %reduce_sum3A_1172 : f32
      %get3A_1174 = arith.constant 1536 : index
      %get3A_1175 = arith.constant 0 : index
      %get3A_1176 = vector.load %arg11[%get3A_1174, %get3A_1175] : memref<2048x1xf32, #tpu.memory_space<vmem>>, vector<256x1xf32>
      %slice3A_1177 = vector.extract_strided_slice %dot_general3A_1118 {offsets = [0, 3], sizes = [256, 1], strides = [1, 1]} : vector<256x10xf32> to vector<256x1xf32>
      %sub3A_1178 = arith.subf %get3A_1176, %slice3A_1177 : vector<256x1xf32>
      %mul3A_1179 = arith.mulf %sub3A_1178, %sub3A_1178 : vector<256x1xf32>
      %mul3A_1180 = arith.mulf %mul3A_1179, %convert_element_type3A_1139 : vector<256x1xf32>
      %reduce_sum3A_1181 = vector.shape_cast %mul3A_1180 : vector<256x1xf32> to vector<1x256x1xf32>
      %reduce_sum3A_1182 = arith.constant dense<0.000000e+00> : vector<1xf32>
      %reduce_sum3A_1183 = vector.multi_reduction <add>, %reduce_sum3A_1181, %reduce_sum3A_1182 [1, 2] : vector<1x256x1xf32> to vector<1xf32>
      %reduce_sum3A_1184 = vector.shape_cast %reduce_sum3A_1183 : vector<1xf32> to vector<1x1x1xf32>
      %reduce_sum3A_1185 = vector.extract %reduce_sum3A_1184[0, 0, 0] : f32 from vector<1x1x1xf32>
      %add3A_1186 = arith.addf %add3A_1037, %reduce_sum3A_1185 : f32
      %get3A_1187 = arith.constant 1536 : index
      %get3A_1188 = arith.constant 0 : index
      %get3A_1189 = vector.load %arg12[%get3A_1187, %get3A_1188] : memref<2048x5xf32, #tpu.memory_space<vmem>>, vector<256x5xf32>
      %reduce_max3A_1190 = arith.constant dense<0xFF800000> : vector<256xf32>
      %reduce_max3A_1191 = vector.multi_reduction <maximumf>, %get3A_1189, %reduce_max3A_1190 [1] : vector<256x5xf32> to vector<256xf32>
      %broadcast_in_dim3A_1192 = vector.shape_cast %reduce_max3A_1191 : vector<256xf32> to vector<256x1xf32>
      %sub3A_1193 = vector.broadcast %broadcast_in_dim3A_1192 : vector<256x1xf32> to vector<256x5xf32>
      %sub3A_1194 = arith.subf %get3A_1189, %sub3A_1193 : vector<256x5xf32>
      %exp3A_1195 = math.exp %sub3A_1194 : vector<256x5xf32>
      %reduce_sum3A_1196 = arith.constant dense<0.000000e+00> : vector<256xf32>
      %reduce_sum3A_1197 = vector.multi_reduction <add>, %exp3A_1195, %reduce_sum3A_1196 [1] : vector<256x5xf32> to vector<256xf32>
      %broadcast_in_dim3A_1198 = vector.shape_cast %reduce_sum3A_1197 : vector<256xf32> to vector<256x1xf32>
      %log3A_1199 = math.log %broadcast_in_dim3A_1198 : vector<256x1xf32>
      %add3A_1200 = arith.addf %broadcast_in_dim3A_1192, %log3A_1199 : vector<256x1xf32>
      %sub3A_1201 = vector.broadcast %add3A_1200 : vector<256x1xf32> to vector<256x5xf32>
      %sub3A_1202 = arith.subf %get3A_1189, %sub3A_1201 : vector<256x5xf32>
      %slice3A_1203 = vector.extract_strided_slice %dot_general3A_1118 {offsets = [0, 4], sizes = [256, 5], strides = [1, 1]} : vector<256x10xf32> to vector<256x5xf32>
      %mul3A_1204 = arith.mulf %sub3A_1202, %slice3A_1203 : vector<256x5xf32>
      %reduce_sum3A_1205 = arith.constant dense<0.000000e+00> : vector<256xf32>
      %reduce_sum3A_1206 = vector.multi_reduction <add>, %mul3A_1204, %reduce_sum3A_1205 [1] : vector<256x5xf32> to vector<256xf32>
      %broadcast_in_dim3A_1207 = vector.shape_cast %reduce_sum3A_1206 : vector<256xf32> to vector<256x1xf32>
      %neg3A_1208 = arith.constant 0.000000e+00 : f32
      %neg3A_1209 = vector.broadcast %neg3A_1208 : f32 to vector<256x1xf32>
      %neg3A_1210 = arith.subf %neg3A_1209, %broadcast_in_dim3A_1207 : vector<256x1xf32>
      %mul3A_1211 = arith.mulf %neg3A_1210, %convert_element_type3A_1139 : vector<256x1xf32>
      %reduce_sum3A_1212 = vector.shape_cast %mul3A_1211 : vector<256x1xf32> to vector<1x256x1xf32>
      %reduce_sum3A_1213 = arith.constant dense<0.000000e+00> : vector<1xf32>
      %reduce_sum3A_1214 = vector.multi_reduction <add>, %reduce_sum3A_1212, %reduce_sum3A_1213 [1, 2] : vector<1x256x1xf32> to vector<1xf32>
      %reduce_sum3A_1215 = vector.shape_cast %reduce_sum3A_1214 : vector<1xf32> to vector<1x1x1xf32>
      %reduce_sum3A_1216 = vector.extract %reduce_sum3A_1215[0, 0, 0] : f32 from vector<1x1x1xf32>
      %add3A_1217 = arith.addf %add3A_1068, %reduce_sum3A_1216 : f32
      %get3A_1218 = arith.constant 1536 : index
      %get3A_1219 = arith.constant 0 : index
      %get3A_1220 = vector.load %arg13[%get3A_1218, %get3A_1219] : memref<2048x1xf32, #tpu.memory_space<vmem>>, vector<256x1xf32>
      %slice3A_1221 = vector.extract_strided_slice %dot_general3A_1118 {offsets = [0, 9], sizes = [256, 1], strides = [1, 1]} : vector<256x10xf32> to vector<256x1xf32>
      %sub3A_1222 = arith.subf %get3A_1220, %slice3A_1221 : vector<256x1xf32>
      %mul3A_1223 = arith.mulf %sub3A_1222, %sub3A_1222 : vector<256x1xf32>
      %mul3A_1224 = arith.mulf %mul3A_1223, %convert_element_type3A_1139 : vector<256x1xf32>
      %reduce_sum3A_1225 = vector.shape_cast %mul3A_1224 : vector<256x1xf32> to vector<1x256x1xf32>
      %reduce_sum3A_1226 = arith.constant dense<0.000000e+00> : vector<1xf32>
      %reduce_sum3A_1227 = vector.multi_reduction <add>, %reduce_sum3A_1225, %reduce_sum3A_1226 [1, 2] : vector<1x256x1xf32> to vector<1xf32>
      %reduce_sum3A_1228 = vector.shape_cast %reduce_sum3A_1227 : vector<1xf32> to vector<1x1x1xf32>
      %reduce_sum3A_1229 = vector.extract %reduce_sum3A_1228[0, 0, 0] : f32 from vector<1x1x1xf32>
      %add3A_1230 = arith.addf %add3A_1081, %reduce_sum3A_1229 : f32
      %get3A_1231 = arith.constant 1536 : index
      %get3A_1232 = arith.constant 0 : index
      %get3A_1233 = vector.load %arg14[%get3A_1231, %get3A_1232] : memref<2048x1xf32, #tpu.memory_space<vmem>>, vector<256x1xf32>
      %sub3A_1234 = arith.constant 1.000000e+00 : f32
      %sub3A_1235 = vector.broadcast %sub3A_1234 : f32 to vector<256x1xf32>
      %sub3A_1236 = arith.subf %sub3A_1235, %convert_element_type3A_1139 : vector<256x1xf32>
      %max3A_1237 = arith.constant 0.000000e+00 : f32
      %max3A_1238 = vector.broadcast %max3A_1237 : f32 to vector<256x1xf32>
      %max3A_1239 = arith.maximumf %get3A_1233, %max3A_1238 : vector<256x1xf32>
      %mul3A_1240 = arith.mulf %get3A_1233, %sub3A_1236 : vector<256x1xf32>
      %sub3A_1241 = arith.subf %max3A_1239, %mul3A_1240 : vector<256x1xf32>
      %abs3A_1242 = math.absf %get3A_1233 : vector<256x1xf32>
      %neg3A_1243 = arith.constant 0.000000e+00 : f32
      %neg3A_1244 = vector.broadcast %neg3A_1243 : f32 to vector<256x1xf32>
      %neg3A_1245 = arith.subf %neg3A_1244, %abs3A_1242 : vector<256x1xf32>
      %exp3A_1246 = math.exp %neg3A_1245 : vector<256x1xf32>
      %log1p3A_1247 = math.log1p %exp3A_1246 : vector<256x1xf32>
      %add3A_1248 = arith.addf %sub3A_1241, %log1p3A_1247 : vector<256x1xf32>
      %reduce_sum3A_1249 = vector.shape_cast %add3A_1248 : vector<256x1xf32> to vector<1x256x1xf32>
      %reduce_sum3A_1250 = arith.constant dense<0.000000e+00> : vector<1xf32>
      %reduce_sum3A_1251 = vector.multi_reduction <add>, %reduce_sum3A_1249, %reduce_sum3A_1250 [1, 2] : vector<1x256x1xf32> to vector<1xf32>
      %reduce_sum3A_1252 = vector.shape_cast %reduce_sum3A_1251 : vector<1xf32> to vector<1x1x1xf32>
      %reduce_sum3A_1253 = vector.extract %reduce_sum3A_1252[0, 0, 0] : f32 from vector<1x1x1xf32>
      %add3A_1254 = arith.addf %add3A_1105, %reduce_sum3A_1253 : f32
      %iota3A_1255 = tpu.iota {dimensions = array<i32: 0>} : vector<256x1280xi32>
      %add3A_1256 = arith.constant 1792 : i32
      %add3A_1257 = vector.broadcast %add3A_1256 : i32 to vector<256x1280xi32>
      %add3A_1258 = arith.addi %add3A_1257, %iota3A_1255 : vector<256x1280xi32>
      %convert_element_type3A_1259 = arith.sitofp %add3A_1258 : vector<256x1280xi32> to vector<256x1280xf32>
      %eq3A_1260 = vector.broadcast %add3A_173 : vector<1x1280xf32> to vector<256x1280xf32>
      %eq3A_1261 = arith.cmpf oeq, %convert_element_type3A_1259, %eq3A_1260 : vector<256x1280xf32>
      %and3A_1262 = vector.broadcast %lt3A_166 : vector<1x1280xi1> to vector<256x1280xi1>
      %and3A_1263 = arith.andi %eq3A_1261, %and3A_1262 : vector<256x1280xi1>
      %convert_element_type3A_1264 = arith.extui %and3A_1263 : vector<256x1280xi1> to vector<256x1280xi32>
      %convert_element_type3A_1265 = arith.sitofp %convert_element_type3A_1264 : vector<256x1280xi32> to vector<256x1280xf32>
      %dot_general3A_1266 = arith.constant dense<0.000000e+00> : vector<256x10xf32>
      %dot_general3A_1267 = tpu.matmul %convert_element_type3A_1265, %concatenate3A, %dot_general3A_1266 {dimension_numbers = #tpu.dot_dimension_numbers<[1], [0], [0], [1], [0, 0, 1, 1], [], []>, transpose_lhs_hint = false} : vector<256x1280xf32>, vector<1280x10xf32>, vector<256x10xf32> -> vector<256x10xf32>
      %iota3A_1268 = tpu.iota {dimensions = array<i32: 0>} : vector<256x1xi32>
      %add3A_1269 = arith.constant 1792 : i32
      %add3A_1270 = vector.broadcast %add3A_1269 : i32 to vector<256x1xi32>
      %add3A_1271 = arith.addi %add3A_1270, %iota3A_1268 : vector<256x1xi32>
      %shift_right_logical3A_1272 = arith.constant 6 : i32
      %shift_right_logical3A_1273 = vector.broadcast %shift_right_logical3A_1272 : i32 to vector<256x1xi32>
      %shift_right_logical3A_1274 = arith.shrui %add3A_1271, %shift_right_logical3A_1273 : vector<256x1xi32>
      %convert_element_type3A_1275 = arith.sitofp %shift_right_logical3A_1274 : vector<256x1xi32> to vector<256x1xf32>
      %iota3A_1276 = tpu.iota {dimensions = array<i32: 1>} : vector<256x64xi32>
      %and3A_1277 = arith.constant 63 : i32
      %and3A_1278 = vector.broadcast %and3A_1277 : i32 to vector<256x1xi32>
      %and3A_1279 = arith.andi %add3A_1271, %and3A_1278 : vector<256x1xi32>
      %eq3A_1280 = vector.broadcast %and3A_1279 : vector<256x1xi32> to vector<256x64xi32>
      %eq3A_1281 = arith.cmpi eq, %iota3A_1276, %eq3A_1280 : vector<256x64xi32>
      %convert_element_type3A_1282 = arith.extui %eq3A_1281 : vector<256x64xi1> to vector<256x64xi32>
      %convert_element_type3A_1283 = arith.sitofp %convert_element_type3A_1282 : vector<256x64xi32> to vector<256x64xf32>
      %dot_general3A_1284 = arith.constant dense<0.000000e+00> : vector<256x1xf32>
      %dot_general3A_1285 = tpu.matmul %convert_element_type3A_1283, %broadcast_in_dim3A_212, %dot_general3A_1284 {dimension_numbers = #tpu.dot_dimension_numbers<[1], [0], [0], [1], [0, 0, 1, 1], [], []>, transpose_lhs_hint = false} : vector<256x64xf32>, vector<64x1xf32>, vector<256x1xf32> -> vector<256x1xf32>
      %lt3A_1286 = arith.cmpf olt, %convert_element_type3A_1275, %dot_general3A_1285 : vector<256x1xf32>
      %convert_element_type3A_1287 = arith.extui %lt3A_1286 : vector<256x1xi1> to vector<256x1xi32>
      %convert_element_type3A_1288 = arith.sitofp %convert_element_type3A_1287 : vector<256x1xi32> to vector<256x1xf32>
      %reduce_sum3A_1289 = vector.shape_cast %convert_element_type3A_1288 : vector<256x1xf32> to vector<1x256x1xf32>
      %reduce_sum3A_1290 = arith.constant dense<0.000000e+00> : vector<1xf32>
      %reduce_sum3A_1291 = vector.multi_reduction <add>, %reduce_sum3A_1289, %reduce_sum3A_1290 [1, 2] : vector<1x256x1xf32> to vector<1xf32>
      %reduce_sum3A_1292 = vector.shape_cast %reduce_sum3A_1291 : vector<1xf32> to vector<1x1x1xf32>
      %reduce_sum3A_1293 = vector.extract %reduce_sum3A_1292[0, 0, 0] : f32 from vector<1x1x1xf32>
      %add3A_1294 = arith.addf %add3A_1145, %reduce_sum3A_1293 : f32
      %get3A_1295 = arith.constant 1792 : index
      %get3A_1296 = arith.constant 0 : index
      %get3A_1297 = vector.load %arg10[%get3A_1295, %get3A_1296] : memref<2048x3xf32, #tpu.memory_space<vmem>>, vector<256x3xf32>
      %mul3A_1298 = arith.mulf %get3A_1297, %get3A_1297 : vector<256x3xf32>
      %reduce_sum3A_1299 = arith.constant dense<0.000000e+00> : vector<256xf32>
      %reduce_sum3A_1300 = vector.multi_reduction <add>, %mul3A_1298, %reduce_sum3A_1299 [1] : vector<256x3xf32> to vector<256xf32>
      %broadcast_in_dim3A_1301 = vector.shape_cast %reduce_sum3A_1300 : vector<256xf32> to vector<256x1xf32>
      %sqrt3A_1302 = math.sqrt %broadcast_in_dim3A_1301 : vector<256x1xf32>
      %max3A_1303 = arith.constant 9.99999993E-9 : f32
      %max3A_1304 = vector.broadcast %max3A_1303 : f32 to vector<256x1xf32>
      %max3A_1305 = arith.maximumf %sqrt3A_1302, %max3A_1304 : vector<256x1xf32>
      %div3A_1306 = vector.broadcast %max3A_1305 : vector<256x1xf32> to vector<256x3xf32>
      %div3A_1307 = arith.divf %get3A_1297, %div3A_1306 : vector<256x3xf32>
      %slice3A_1308 = vector.extract_strided_slice %dot_general3A_1267 {offsets = [0, 0], sizes = [256, 3], strides = [1, 1]} : vector<256x10xf32> to vector<256x3xf32>
      %mul3A_1309 = arith.mulf %div3A_1307, %slice3A_1308 : vector<256x3xf32>
      %reduce_sum3A_1310 = arith.constant dense<0.000000e+00> : vector<256xf32>
      %reduce_sum3A_1311 = vector.multi_reduction <add>, %mul3A_1309, %reduce_sum3A_1310 [1] : vector<256x3xf32> to vector<256xf32>
      %broadcast_in_dim3A_1312 = vector.shape_cast %reduce_sum3A_1311 : vector<256xf32> to vector<256x1xf32>
      %sub3A_1313 = arith.constant 1.000000e+00 : f32
      %sub3A_1314 = vector.broadcast %sub3A_1313 : f32 to vector<256x1xf32>
      %sub3A_1315 = arith.subf %sub3A_1314, %broadcast_in_dim3A_1312 : vector<256x1xf32>
      %mul3A_1316 = arith.mulf %sub3A_1315, %convert_element_type3A_1288 : vector<256x1xf32>
      %reduce_sum3A_1317 = vector.shape_cast %mul3A_1316 : vector<256x1xf32> to vector<1x256x1xf32>
      %reduce_sum3A_1318 = arith.constant dense<0.000000e+00> : vector<1xf32>
      %reduce_sum3A_1319 = vector.multi_reduction <add>, %reduce_sum3A_1317, %reduce_sum3A_1318 [1, 2] : vector<1x256x1xf32> to vector<1xf32>
      %reduce_sum3A_1320 = vector.shape_cast %reduce_sum3A_1319 : vector<1xf32> to vector<1x1x1xf32>
      %reduce_sum3A_1321 = vector.extract %reduce_sum3A_1320[0, 0, 0] : f32 from vector<1x1x1xf32>
      %add3A_1322 = arith.addf %add3A_1173, %reduce_sum3A_1321 : f32
      %get3A_1323 = arith.constant 1792 : index
      %get3A_1324 = arith.constant 0 : index
      %get3A_1325 = vector.load %arg11[%get3A_1323, %get3A_1324] : memref<2048x1xf32, #tpu.memory_space<vmem>>, vector<256x1xf32>
      %slice3A_1326 = vector.extract_strided_slice %dot_general3A_1267 {offsets = [0, 3], sizes = [256, 1], strides = [1, 1]} : vector<256x10xf32> to vector<256x1xf32>
      %sub3A_1327 = arith.subf %get3A_1325, %slice3A_1326 : vector<256x1xf32>
      %mul3A_1328 = arith.mulf %sub3A_1327, %sub3A_1327 : vector<256x1xf32>
      %mul3A_1329 = arith.mulf %mul3A_1328, %convert_element_type3A_1288 : vector<256x1xf32>
      %reduce_sum3A_1330 = vector.shape_cast %mul3A_1329 : vector<256x1xf32> to vector<1x256x1xf32>
      %reduce_sum3A_1331 = arith.constant dense<0.000000e+00> : vector<1xf32>
      %reduce_sum3A_1332 = vector.multi_reduction <add>, %reduce_sum3A_1330, %reduce_sum3A_1331 [1, 2] : vector<1x256x1xf32> to vector<1xf32>
      %reduce_sum3A_1333 = vector.shape_cast %reduce_sum3A_1332 : vector<1xf32> to vector<1x1x1xf32>
      %reduce_sum3A_1334 = vector.extract %reduce_sum3A_1333[0, 0, 0] : f32 from vector<1x1x1xf32>
      %add3A_1335 = arith.addf %add3A_1186, %reduce_sum3A_1334 : f32
      %get3A_1336 = arith.constant 1792 : index
      %get3A_1337 = arith.constant 0 : index
      %get3A_1338 = vector.load %arg12[%get3A_1336, %get3A_1337] : memref<2048x5xf32, #tpu.memory_space<vmem>>, vector<256x5xf32>
      %reduce_max3A_1339 = arith.constant dense<0xFF800000> : vector<256xf32>
      %reduce_max3A_1340 = vector.multi_reduction <maximumf>, %get3A_1338, %reduce_max3A_1339 [1] : vector<256x5xf32> to vector<256xf32>
      %broadcast_in_dim3A_1341 = vector.shape_cast %reduce_max3A_1340 : vector<256xf32> to vector<256x1xf32>
      %sub3A_1342 = vector.broadcast %broadcast_in_dim3A_1341 : vector<256x1xf32> to vector<256x5xf32>
      %sub3A_1343 = arith.subf %get3A_1338, %sub3A_1342 : vector<256x5xf32>
      %exp3A_1344 = math.exp %sub3A_1343 : vector<256x5xf32>
      %reduce_sum3A_1345 = arith.constant dense<0.000000e+00> : vector<256xf32>
      %reduce_sum3A_1346 = vector.multi_reduction <add>, %exp3A_1344, %reduce_sum3A_1345 [1] : vector<256x5xf32> to vector<256xf32>
      %broadcast_in_dim3A_1347 = vector.shape_cast %reduce_sum3A_1346 : vector<256xf32> to vector<256x1xf32>
      %log3A_1348 = math.log %broadcast_in_dim3A_1347 : vector<256x1xf32>
      %add3A_1349 = arith.addf %broadcast_in_dim3A_1341, %log3A_1348 : vector<256x1xf32>
      %sub3A_1350 = vector.broadcast %add3A_1349 : vector<256x1xf32> to vector<256x5xf32>
      %sub3A_1351 = arith.subf %get3A_1338, %sub3A_1350 : vector<256x5xf32>
      %slice3A_1352 = vector.extract_strided_slice %dot_general3A_1267 {offsets = [0, 4], sizes = [256, 5], strides = [1, 1]} : vector<256x10xf32> to vector<256x5xf32>
      %mul3A_1353 = arith.mulf %sub3A_1351, %slice3A_1352 : vector<256x5xf32>
      %reduce_sum3A_1354 = arith.constant dense<0.000000e+00> : vector<256xf32>
      %reduce_sum3A_1355 = vector.multi_reduction <add>, %mul3A_1353, %reduce_sum3A_1354 [1] : vector<256x5xf32> to vector<256xf32>
      %broadcast_in_dim3A_1356 = vector.shape_cast %reduce_sum3A_1355 : vector<256xf32> to vector<256x1xf32>
      %neg3A_1357 = arith.constant 0.000000e+00 : f32
      %neg3A_1358 = vector.broadcast %neg3A_1357 : f32 to vector<256x1xf32>
      %neg3A_1359 = arith.subf %neg3A_1358, %broadcast_in_dim3A_1356 : vector<256x1xf32>
      %mul3A_1360 = arith.mulf %neg3A_1359, %convert_element_type3A_1288 : vector<256x1xf32>
      %reduce_sum3A_1361 = vector.shape_cast %mul3A_1360 : vector<256x1xf32> to vector<1x256x1xf32>
      %reduce_sum3A_1362 = arith.constant dense<0.000000e+00> : vector<1xf32>
      %reduce_sum3A_1363 = vector.multi_reduction <add>, %reduce_sum3A_1361, %reduce_sum3A_1362 [1, 2] : vector<1x256x1xf32> to vector<1xf32>
      %reduce_sum3A_1364 = vector.shape_cast %reduce_sum3A_1363 : vector<1xf32> to vector<1x1x1xf32>
      %reduce_sum3A_1365 = vector.extract %reduce_sum3A_1364[0, 0, 0] : f32 from vector<1x1x1xf32>
      %add3A_1366 = arith.addf %add3A_1217, %reduce_sum3A_1365 : f32
      %get3A_1367 = arith.constant 1792 : index
      %get3A_1368 = arith.constant 0 : index
      %get3A_1369 = vector.load %arg13[%get3A_1367, %get3A_1368] : memref<2048x1xf32, #tpu.memory_space<vmem>>, vector<256x1xf32>
      %slice3A_1370 = vector.extract_strided_slice %dot_general3A_1267 {offsets = [0, 9], sizes = [256, 1], strides = [1, 1]} : vector<256x10xf32> to vector<256x1xf32>
      %sub3A_1371 = arith.subf %get3A_1369, %slice3A_1370 : vector<256x1xf32>
      %mul3A_1372 = arith.mulf %sub3A_1371, %sub3A_1371 : vector<256x1xf32>
      %mul3A_1373 = arith.mulf %mul3A_1372, %convert_element_type3A_1288 : vector<256x1xf32>
      %reduce_sum3A_1374 = vector.shape_cast %mul3A_1373 : vector<256x1xf32> to vector<1x256x1xf32>
      %reduce_sum3A_1375 = arith.constant dense<0.000000e+00> : vector<1xf32>
      %reduce_sum3A_1376 = vector.multi_reduction <add>, %reduce_sum3A_1374, %reduce_sum3A_1375 [1, 2] : vector<1x256x1xf32> to vector<1xf32>
      %reduce_sum3A_1377 = vector.shape_cast %reduce_sum3A_1376 : vector<1xf32> to vector<1x1x1xf32>
      %reduce_sum3A_1378 = vector.extract %reduce_sum3A_1377[0, 0, 0] : f32 from vector<1x1x1xf32>
      %add3A_1379 = arith.addf %add3A_1230, %reduce_sum3A_1378 : f32
      %get3A_1380 = arith.constant 1792 : index
      %get3A_1381 = arith.constant 0 : index
      %get3A_1382 = vector.load %arg14[%get3A_1380, %get3A_1381] : memref<2048x1xf32, #tpu.memory_space<vmem>>, vector<256x1xf32>
      %sub3A_1383 = arith.constant 1.000000e+00 : f32
      %sub3A_1384 = vector.broadcast %sub3A_1383 : f32 to vector<256x1xf32>
      %sub3A_1385 = arith.subf %sub3A_1384, %convert_element_type3A_1288 : vector<256x1xf32>
      %max3A_1386 = arith.constant 0.000000e+00 : f32
      %max3A_1387 = vector.broadcast %max3A_1386 : f32 to vector<256x1xf32>
      %max3A_1388 = arith.maximumf %get3A_1382, %max3A_1387 : vector<256x1xf32>
      %mul3A_1389 = arith.mulf %get3A_1382, %sub3A_1385 : vector<256x1xf32>
      %sub3A_1390 = arith.subf %max3A_1388, %mul3A_1389 : vector<256x1xf32>
      %abs3A_1391 = math.absf %get3A_1382 : vector<256x1xf32>
      %neg3A_1392 = arith.constant 0.000000e+00 : f32
      %neg3A_1393 = vector.broadcast %neg3A_1392 : f32 to vector<256x1xf32>
      %neg3A_1394 = arith.subf %neg3A_1393, %abs3A_1391 : vector<256x1xf32>
      %exp3A_1395 = math.exp %neg3A_1394 : vector<256x1xf32>
      %log1p3A_1396 = math.log1p %exp3A_1395 : vector<256x1xf32>
      %add3A_1397 = arith.addf %sub3A_1390, %log1p3A_1396 : vector<256x1xf32>
      %reduce_sum3A_1398 = vector.shape_cast %add3A_1397 : vector<256x1xf32> to vector<1x256x1xf32>
      %reduce_sum3A_1399 = arith.constant dense<0.000000e+00> : vector<1xf32>
      %reduce_sum3A_1400 = vector.multi_reduction <add>, %reduce_sum3A_1398, %reduce_sum3A_1399 [1, 2] : vector<1x256x1xf32> to vector<1xf32>
      %reduce_sum3A_1401 = vector.shape_cast %reduce_sum3A_1400 : vector<1xf32> to vector<1x1x1xf32>
      %reduce_sum3A_1402 = vector.extract %reduce_sum3A_1401[0, 0, 0] : f32 from vector<1x1x1xf32>
      %add3A_1403 = arith.addf %add3A_1254, %reduce_sum3A_1402 : f32
      %swap3A_1404 = arith.constant 2 : index
      %swap3A_1405 = memref.load %arg16[%swap3A_1404] : memref<8xf32, #tpu.memory_space<smem>>
      memref.store %add3A_1322, %arg16[%swap3A_1404] : memref<8xf32, #tpu.memory_space<smem>>
      %swap3A_1406 = arith.constant 3 : index
      %swap3A_1407 = memref.load %arg16[%swap3A_1406] : memref<8xf32, #tpu.memory_space<smem>>
      memref.store %add3A_1335, %arg16[%swap3A_1406] : memref<8xf32, #tpu.memory_space<smem>>
      %swap3A_1408 = arith.constant 4 : index
      %swap3A_1409 = memref.load %arg16[%swap3A_1408] : memref<8xf32, #tpu.memory_space<smem>>
      memref.store %add3A_1366, %arg16[%swap3A_1408] : memref<8xf32, #tpu.memory_space<smem>>
      %swap3A_1410 = arith.constant 5 : index
      %swap3A_1411 = memref.load %arg16[%swap3A_1410] : memref<8xf32, #tpu.memory_space<smem>>
      memref.store %add3A_1379, %arg16[%swap3A_1410] : memref<8xf32, #tpu.memory_space<smem>>
      %swap3A_1412 = arith.constant 6 : index
      %swap3A_1413 = memref.load %arg16[%swap3A_1412] : memref<8xf32, #tpu.memory_space<smem>>
      memref.store %add3A_1294, %arg16[%swap3A_1412] : memref<8xf32, #tpu.memory_space<smem>>
      %swap3A_1414 = arith.constant 7 : index
      %swap3A_1415 = memref.load %arg16[%swap3A_1414] : memref<8xf32, #tpu.memory_space<smem>>
      memref.store %add3A_1403, %arg16[%swap3A_1414] : memref<8xf32, #tpu.memory_space<smem>>
    } else {
    }
    %get3A = arith.constant 0 : index
    %get3A_2 = arith.constant 0 : index
    %get3A_3 = vector.load %arg1[%get3A, %get3A_2] : memref<32x8192xf32, #tpu.memory_space<vmem>>, vector<32x8192xf32>
    %get3A_4 = arith.constant 0 : index
    %get3A_5 = arith.constant 0 : index
    %get3A_6 = vector.load %arg2[%get3A_4, %get3A_5] : memref<1x8192xi32, #tpu.memory_space<vmem>>, vector<1x8192xi32>
    %mul3A = arith.constant 8192 : i32
    %mul3A_7 = arith.muli %arg0, %mul3A : i32
    %iota3A = tpu.iota {dimensions = array<i32: 1>} : vector<1x8192xi32>
    %add3A = vector.broadcast %mul3A_7 : i32 to vector<1x8192xi32>
    %add3A_8 = arith.addi %add3A, %iota3A : vector<1x8192xi32>
    %lt3A = arith.constant 500000 : i32
    %lt3A_9 = vector.broadcast %lt3A : i32 to vector<1x8192xi32>
    %lt3A_10 = arith.cmpi slt, %add3A_8, %lt3A_9 : vector<1x8192xi32>
    %iota3A_11 = tpu.iota {dimensions = array<i32: 0>} : vector<64x8192xi32>
    %eq3A_12 = vector.broadcast %get3A_6 : vector<1x8192xi32> to vector<64x8192xi32>
    %eq3A_13 = arith.cmpi eq, %iota3A_11, %eq3A_12 : vector<64x8192xi32>
    %get3A_14 = arith.constant 0 : index
    %get3A_15 = arith.constant 0 : index
    %get3A_16 = vector.load %arg17[%get3A_14, %get3A_15] : memref<8x64xf32, #tpu.memory_space<vmem>>, vector<1x64xf32>
    %convert_element_type3A_17 = arith.extui %eq3A_13 : vector<64x8192xi1> to vector<64x8192xi32>
    %convert_element_type3A_18 = arith.sitofp %convert_element_type3A_17 : vector<64x8192xi32> to vector<64x8192xf32>
    %dot_general3A = arith.constant dense<0.000000e+00> : vector<1x8192xf32>
    %dot_general3A_19 = tpu.matmul %get3A_16, %convert_element_type3A_18, %dot_general3A {dimension_numbers = #tpu.dot_dimension_numbers<[1], [0], [0], [1], [0, 0, 1, 1], [], []>, transpose_lhs_hint = false} : vector<1x64xf32>, vector<64x8192xf32>, vector<1x8192xf32> -> vector<1x8192xf32>
    %iota3A_20 = tpu.iota {dimensions = array<i32: 0>} : vector<32x8192xi32>
    %convert_element_type3A_21 = arith.sitofp %iota3A_20 : vector<32x8192xi32> to vector<32x8192xf32>
    %lt3A_22 = vector.broadcast %dot_general3A_19 : vector<1x8192xf32> to vector<32x8192xf32>
    %lt3A_23 = arith.cmpf olt, %convert_element_type3A_21, %lt3A_22 : vector<32x8192xf32>
    %and3A = vector.broadcast %lt3A_10 : vector<1x8192xi1> to vector<32x8192xi1>
    %and3A_24 = arith.andi %lt3A_23, %and3A : vector<32x8192xi1>
    %reduce_sum3A = vector.shape_cast %get3A_3 : vector<32x8192xf32> to vector<1x32x8192xf32>
    %reduce_sum3A_25 = arith.constant dense<0.000000e+00> : vector<1xf32>
    %reduce_sum3A_26 = vector.multi_reduction <add>, %reduce_sum3A, %reduce_sum3A_25 [1, 2] : vector<1x32x8192xf32> to vector<1xf32>
    %reduce_sum3A_27 = vector.shape_cast %reduce_sum3A_26 : vector<1xf32> to vector<1x1x1xf32>
    %reduce_sum3A_28 = vector.extract %reduce_sum3A_27[0, 0, 0] : f32 from vector<1x1x1xf32>
    %convert_element_type3A_29 = arith.extui %and3A_24 : vector<32x8192xi1> to vector<32x8192xi32>
    %convert_element_type3A_30 = arith.sitofp %convert_element_type3A_29 : vector<32x8192xi32> to vector<32x8192xf32>
    %reduce_sum3A_31 = vector.shape_cast %convert_element_type3A_30 : vector<32x8192xf32> to vector<1x32x8192xf32>
    %reduce_sum3A_32 = arith.constant dense<0.000000e+00> : vector<1xf32>
    %reduce_sum3A_33 = vector.multi_reduction <add>, %reduce_sum3A_31, %reduce_sum3A_32 [1, 2] : vector<1x32x8192xf32> to vector<1xf32>
    %reduce_sum3A_34 = vector.shape_cast %reduce_sum3A_33 : vector<1xf32> to vector<1x1x1xf32>
    %reduce_sum3A_35 = vector.extract %reduce_sum3A_34[0, 0, 0] : f32 from vector<1x1x1xf32>
    %mul3A_36 = arith.constant 0.000000e+00 : f32
    %mul3A_37 = arith.mulf %reduce_sum3A_35, %mul3A_36 : f32
    %add3A_38 = arith.addf %reduce_sum3A_28, %mul3A_37 : f32
    %get3A_39 = arith.constant 0 : index
    %get3A_40 = memref.load %arg16[%get3A_39] : memref<8xf32, #tpu.memory_space<smem>>
    %add3A_41 = arith.addf %get3A_40, %add3A_38 : f32
    %swap3A = arith.constant 0 : index
    %swap3A_42 = memref.load %arg16[%swap3A] : memref<8xf32, #tpu.memory_space<smem>>
    memref.store %add3A_41, %arg16[%swap3A] : memref<8xf32, #tpu.memory_space<smem>>
    %get3A_43 = arith.constant 1 : index
    %get3A_44 = memref.load %arg16[%get3A_43] : memref<8xf32, #tpu.memory_space<smem>>
    %add3A_45 = arith.constant 1.000000e+00 : f32
    %add3A_46 = arith.addf %get3A_44, %add3A_45 : f32
    %swap3A_47 = arith.constant 1 : index
    %swap3A_48 = memref.load %arg16[%swap3A_47] : memref<8xf32, #tpu.memory_space<smem>>
    memref.store %add3A_46, %arg16[%swap3A_47] : memref<8xf32, #tpu.memory_space<smem>>
    %eq3A_49 = arith.constant 61 : i32
    %eq3A_50 = arith.cmpi eq, %arg0, %eq3A_49 : i32
    %convert_element_type3A_51 = arith.extui %eq3A_50 : i1 to i32
    %cond3A_52 = arith.constant 0 : i32
    %cond3A_53 = arith.cmpi ne, %convert_element_type3A_51, %cond3A_52 : i32
    scf.if %cond3A_53 {
      %get3A_54 = arith.constant 6 : index
      %get3A_55 = memref.load %arg16[%get3A_54] : memref<8xf32, #tpu.memory_space<smem>>
      %max3A = arith.constant 1.000000e+00 : f32
      %max3A_56 = arith.maximumf %get3A_55, %max3A : f32
      %get3A_57 = arith.constant 2 : index
      %get3A_58 = memref.load %arg16[%get3A_57] : memref<8xf32, #tpu.memory_space<smem>>
      %div3A = arith.divf %get3A_58, %max3A_56 : f32
      %get3A_59 = arith.constant 3 : index
      %get3A_60 = memref.load %arg16[%get3A_59] : memref<8xf32, #tpu.memory_space<smem>>
      %div3A_61 = arith.divf %get3A_60, %max3A_56 : f32
      %get3A_62 = arith.constant 4 : index
      %get3A_63 = memref.load %arg16[%get3A_62] : memref<8xf32, #tpu.memory_space<smem>>
      %div3A_64 = arith.divf %get3A_63, %max3A_56 : f32
      %get3A_65 = arith.constant 5 : index
      %get3A_66 = memref.load %arg16[%get3A_65] : memref<8xf32, #tpu.memory_space<smem>>
      %div3A_67 = arith.divf %get3A_66, %max3A_56 : f32
      %get3A_68 = arith.constant 0 : index
      %get3A_69 = memref.load %arg16[%get3A_68] : memref<8xf32, #tpu.memory_space<smem>>
      %get3A_70 = arith.constant 1 : index
      %get3A_71 = memref.load %arg16[%get3A_70] : memref<8xf32, #tpu.memory_space<smem>>
      %max3A_72 = arith.constant 1.000000e+00 : f32
      %max3A_73 = arith.maximumf %get3A_71, %max3A_72 : f32
      %div3A_74 = arith.divf %get3A_69, %max3A_73 : f32
      %get3A_75 = arith.constant 7 : index
      %get3A_76 = memref.load %arg16[%get3A_75] : memref<8xf32, #tpu.memory_space<smem>>
      %div3A_77 = arith.constant 2.048000e+03 : f32
      %div3A_78 = arith.divf %get3A_76, %div3A_77 : f32
      %add3A_79 = arith.addf %div3A, %div3A_61 : f32
      %add3A_80 = arith.addf %add3A_79, %div3A_64 : f32
      %mul3A_81 = arith.constant 5.000000e-01 : f32
      %mul3A_82 = arith.mulf %mul3A_81, %div3A_67 : f32
      %add3A_83 = arith.addf %add3A_80, %mul3A_82 : f32
      %add3A_84 = arith.addf %add3A_83, %div3A_74 : f32
      %mul3A_85 = arith.constant 5.000000e-01 : f32
      %mul3A_86 = arith.mulf %mul3A_85, %div3A_78 : f32
      %add3A_87 = arith.addf %add3A_84, %mul3A_86 : f32
      %swap3A_88 = arith.constant 0 : index
      %swap3A_89 = memref.load %arg15[%swap3A_88] : memref<8xf32, #tpu.memory_space<smem>>
      memref.store %add3A_87, %arg15[%swap3A_88] : memref<8xf32, #tpu.memory_space<smem>>
      %swap3A_90 = arith.constant 1 : index
      %swap3A_91 = memref.load %arg15[%swap3A_90] : memref<8xf32, #tpu.memory_space<smem>>
      memref.store %div3A, %arg15[%swap3A_90] : memref<8xf32, #tpu.memory_space<smem>>
      %swap3A_92 = arith.constant 2 : index
      %swap3A_93 = memref.load %arg15[%swap3A_92] : memref<8xf32, #tpu.memory_space<smem>>
      memref.store %div3A_61, %arg15[%swap3A_92] : memref<8xf32, #tpu.memory_space<smem>>
      %swap3A_94 = arith.constant 3 : index
      %swap3A_95 = memref.load %arg15[%swap3A_94] : memref<8xf32, #tpu.memory_space<smem>>
      memref.store %div3A_64, %arg15[%swap3A_94] : memref<8xf32, #tpu.memory_space<smem>>
      %swap3A_96 = arith.constant 4 : index
      %swap3A_97 = memref.load %arg15[%swap3A_96] : memref<8xf32, #tpu.memory_space<smem>>
      memref.store %div3A_67, %arg15[%swap3A_96] : memref<8xf32, #tpu.memory_space<smem>>
      %swap3A_98 = arith.constant 5 : index
      %swap3A_99 = memref.load %arg15[%swap3A_98] : memref<8xf32, #tpu.memory_space<smem>>
      memref.store %div3A_74, %arg15[%swap3A_98] : memref<8xf32, #tpu.memory_space<smem>>
      %swap3A_100 = arith.constant 6 : index
      %swap3A_101 = memref.load %arg15[%swap3A_100] : memref<8xf32, #tpu.memory_space<smem>>
      memref.store %div3A_78, %arg15[%swap3A_100] : memref<8xf32, #tpu.memory_space<smem>>
    } else {
    }
    return
  }
  func.func @transform_0(%arg0: i32) -> (i32, i32) {
    %c0_i32 = arith.constant 0 : i32
    %c0_i32_0 = arith.constant 0 : i32
    return %c0_i32, %arg0 : i32, i32
  }
  func.func @transform_1(%arg0: i32) -> (i32, i32) {
    %c0_i32 = arith.constant 0 : i32
    %c0_i32_0 = arith.constant 0 : i32
    return %c0_i32, %arg0 : i32, i32
  }
  func.func @transform_2(%arg0: i32) -> (i32, i32) {
    %c0_i32 = arith.constant 0 : i32
    %c0_i32_0 = arith.constant 0 : i32
    return %c0_i32, %arg0 : i32, i32
  }
  func.func @transform_3(%arg0: i32) -> (i32, i32) {
    %c0_i32 = arith.constant 0 : i32
    %c0_i32_0 = arith.constant 0 : i32
    %c0_i32_1 = arith.constant 0 : i32
    return %c0_i32, %c0_i32_0 : i32, i32
  }
  func.func @transform_4(%arg0: i32) -> (i32, i32) {
    %c0_i32 = arith.constant 0 : i32
    %c0_i32_0 = arith.constant 0 : i32
    %c0_i32_1 = arith.constant 0 : i32
    return %c0_i32, %c0_i32_0 : i32, i32
  }
  func.func @transform_5(%arg0: i32) -> (i32, i32) {
    %c0_i32 = arith.constant 0 : i32
    %c0_i32_0 = arith.constant 0 : i32
    %c0_i32_1 = arith.constant 0 : i32
    return %c0_i32, %c0_i32_0 : i32, i32
  }
  func.func @transform_6(%arg0: i32) -> (i32, i32) {
    %c0_i32 = arith.constant 0 : i32
    %c0_i32_0 = arith.constant 0 : i32
    %c0_i32_1 = arith.constant 0 : i32
    return %c0_i32, %c0_i32_0 : i32, i32
  }
  func.func @transform_7(%arg0: i32) -> (i32, i32) {
    %c0_i32 = arith.constant 0 : i32
    %c0_i32_0 = arith.constant 0 : i32
    %c0_i32_1 = arith.constant 0 : i32
    return %c0_i32, %c0_i32_0 : i32, i32
  }
  func.func @transform_8(%arg0: i32) -> (i32, i32) {
    %c0_i32 = arith.constant 0 : i32
    %c0_i32_0 = arith.constant 0 : i32
    %c0_i32_1 = arith.constant 0 : i32
    return %c0_i32, %c0_i32_0 : i32, i32
  }
  func.func @transform_9(%arg0: i32) -> (i32, i32) {
    %c0_i32 = arith.constant 0 : i32
    %c0_i32_0 = arith.constant 0 : i32
    %c0_i32_1 = arith.constant 0 : i32
    return %c0_i32, %c0_i32_0 : i32, i32
  }
  func.func @transform_10(%arg0: i32) -> (i32, i32) {
    %c0_i32 = arith.constant 0 : i32
    %c0_i32_0 = arith.constant 0 : i32
    %c0_i32_1 = arith.constant 0 : i32
    return %c0_i32, %c0_i32_0 : i32, i32
  }
  func.func @transform_11(%arg0: i32) -> (i32, i32) {
    %c0_i32 = arith.constant 0 : i32
    %c0_i32_0 = arith.constant 0 : i32
    %c0_i32_1 = arith.constant 0 : i32
    return %c0_i32, %c0_i32_0 : i32, i32
  }
  func.func @transform_12(%arg0: i32) -> (i32, i32) {
    %c0_i32 = arith.constant 0 : i32
    %c0_i32_0 = arith.constant 0 : i32
    %c0_i32_1 = arith.constant 0 : i32
    return %c0_i32, %c0_i32_0 : i32, i32
  }
  func.func @transform_13(%arg0: i32) -> (i32, i32) {
    %c0_i32 = arith.constant 0 : i32
    %c0_i32_0 = arith.constant 0 : i32
    %c0_i32_1 = arith.constant 0 : i32
    return %c0_i32, %c0_i32_0 : i32, i32
  }
  func.func @transform_14(%arg0: i32) -> i32 {
    %c0_i32 = arith.constant 0 : i32
    %c0_i32_0 = arith.constant 0 : i32
    return %c0_i32 : i32
  }
}

</mosaic_0001>

<sc_bundles>
// kernel: sparse-core-data-format-call.cloned.1.call-start
scs
called_computation_lowered:
.L_overlay_start_0:
0x0: {  	s2 =	sld [smem:$0x3FD9]  }
0x1: {  	s3 =	sld [smem:$0x3FFE];
	_ =	sdelay $0x1  }
0x2: {  	s1 =	srdreg.scid  }
0x3: {  	s0 =	sand.u32 $0x1, s1  }
0x4: {  	s18 =	sshll.u32 s0, $0xA;
	s2 =	sadd.s32 s3, s2  }
0x5: {  	s2 =	sadd.s32 s2, s18  }
0x6: {  	[smem:$0x3FBB] =	sst s2  }
0x7: {  	_ = 	snop  }
0x8: {  	s2 =	sld [smem:$0x3FC5];
	(tm) =	ssettm $0x1  }
0x9: {  	s19 =	sld [smem:$0x3FFB];
	_ =	sdelay $0x3  }
0xa: {  	_ =	strace s19  }
0xb: {  	s3 =	sld [smem:$0x3FFC];
	_ =	sdelay $0x3  }
0xc: {  	_ =	strace s3  }
0xd: {  	s3 =	sld [smem:$0x3FFD];
	_ =	sdelay $0x3  }
0xe: {  	_ =	strace s3  }
0xf: {  	_ =	strace $0x8FFFFFFF  }
0x10: {  	s20 =	sld [smem:$0x3FDB];
	_ =	sdelay $0x1  }
0x11: {  	s4 =	simm.s32 $_scs_section_size  }
0x12: {  	s5 =	simm.s32 $_size__tile_overlayer_lowered;
	s6 =	simm.s32 $_tile_overlayer_lowered  }
0x13: {  	s23 =	simm.s32 $0x1BFF;
	s22 =	sshll.u32 s6, $0x1;
	s3 =	sadd.s32 s4, s20  }
0x14: {  	s7 =	simm.s32 $0x0;
	s21 =	sshll.u32 s5, $0x1;
	s5 =	sadd.s32 s22, s3  }
0x15: {  	[timem:s7], [sflag:s23] =	dma.local [hbm:s5], s21  }
0x16: {  	_ =	swait.ge [sflag:s23], s21  }
0x17: {  	s4 =	ssub.s32 $0x0, s21;
	[sflag:s23] =	ssyncset.done $0x0  }
0x18: {  	[sflag:s23] =	ssyncadd.s32 s4;
	_ =	sdelay $0x1  }
0x19: {  	s24 =	simm.s32 $0x1B8B  }
0x1a: {  	_ =	swait.ge [sflag:s24], $0x1  }
0x1b: {  	[sflag:s24] =	ssyncset.done $0x0  }
0x1c: {  	s26 =	simm.s32 $0x1B8E;
	s25 =	sld [smem:$0x3FFE];
	[sflag:s24] =	ssyncadd.s32 $0xFFFFFFFF  }
0x1d: {  	s27 =	simm.s32 $execute0_lowered;
	[smem:$0x3FD2] =	sst s26  }
0x1e: {  	s5 =	sshll.u32 s27, $0x1;
	_ =	strace $0x80000046;
	[dreg:$0x1] =	wrdreg $0xFFFFFFFF  }
0x1f: {  	s28 =	simm.s32 $_size_execute0_lowered;
	s3 =	sadd.s32 s3, s5;
	[dreg:$0x0] =	wrdreg $0x0  }
0x20: {  	s5 =	sshll.u32 s28, $0x1;
	[dreg:$0x2] =	wrdreg s3  }
0x21: {  	[dreg:$0x3] =	wrdreg s5  }
0x22: {  	[dreg:$0x4] =	wrdreg $0xC0  }
0x23: {  	_ =	task [dreg:s7], $0x5FFFF  }
0x24: {  	[dreg:$0x1] =	wrdreg $0xFFFFFFFF  }
0x25: {  	[dreg:$0x0] =	wrdreg $0x60  }
0x26: {  	[dreg:$0x2] =	wrdreg s2  }
0x27: {  	[dreg:$0x3] =	wrdreg s25  }
0x28: {  	[dreg:$0x4] =	wrdreg $0x9  }
0x29: {  	_ =	task.clear_ibuf [dreg:s7], $0x5FFFF;
	_ =	strace $0x90000046  }
0x2a: {  	s29 =	simm.s32 $0x9;
	_ =	strace $0x80000048  }
0x2b: {  	_ =	swait.ge [sflag:s29], $0x1  }
0x2c: {  	[sflag:s29] =	ssyncadd.s32 $0xFFFFFFFF  }
0x2d: {  	_ =	strace $0x90000048  }
0x2e: {  	_ =	sfence  }
0x2f: {  	s30 =	sld [smem:$0x0];
	_ =	sdelay $0x2  }
0x30: {  	s31 =	sshll.u32 s1, $0xD;
	s1 =	sshrl.u32 s1, $0x2  }
0x31: {  	s3 =	sand.u32 $0x4000, s31;
	s1 =	sadd.s32 s1, s30  }
0x32: {  	s0 =	sor.u32 s3, s0;
	s1 =	sshll.u32 s1, $0x11  }
0x33: {  	s0 =	sor.u32 s1, s0  }
0x34: {  	s0 =	sadd.s32 $0x8F2B, s0  }
0x35: {  	[sflag:s0] =	ssyncadd.remote.s32 $0x1  }
0x36: {  	_ =	sfence.sel $0xFFFF  }
0x37: {  	[dreg:$0x0] =	wrdreg $0xFFFFFFFF;
	(pc) =	sbr.abs _section_cstart, $3  }
0x38: {  	[dreg:$0x1] =	wrdreg $0xFFFFFFFF  }
0x39: {  	_ =	task.clear_ibuf [dreg:s7], $0x2FFFF;
	_ =	strace $0x9FFFFFFF  }
0x3a: {  	(tm) =	ssettm $0x7FFFFFFF  }
0x3b: {  	_ =	shalt  }
tec
execute0_lowered:
.L_overlay_start_1:
0x0: {  	(tag) =	ssettag $0x1  }
0x1: {  	s0 =	srdreg.scid;
	s2 =	rddreg [dreg:$0x0]  }
0x2: {  	s6 =	rddreg [dreg:$0x1];
	s4 =	simm.s32 $0x1;
	s7 =	simm.s32 $0x2  }
0x3: {  	s13 =	simm.s32 $0x0;
	s8 =	simm.s32 $0x3D0C00;
	s1 =	sshll.u32 s0, $0x4  }
0x4: {  	s9 =	simm.s32 $0x0;
	s0 =	stileid.u32;
	s1 =	sand.u32 $0x10, s1  }
.Ltmp0:
0x5: {  	s14 =	simm.s32 $0x0;
	s3 =	sor.u32 s0, s1;
	(pc) =	sbr.rel .LBB1_1-.Ltmp0, $4  }
0x6: {  	s11 =	simm.s32 $0x0;
	s12 =	simm.s32 $0x0;
	s3 =	sshll.u32 s3, $0x7  }
0x7: {  	s1 =	rddreg [dreg:$0x2];
	_ =	strace $0x80000047;
	s5 =	ssub.s32 $0x7A100, s3  }
0x8: {  	s6 =	sadd.s32 $0xE00, s6;
	[sflag:s4] =	ssyncpa.u1 $0x0;
	s5 =	sshrl.u32 s5, $0xC  }
0x9: {  	[sflag:s7] =	ssyncpa.u1 $0x0;
	s10 =	smov.u32 s3;
	s7 =	sadd.s32 $0x2, s5  }
.LBB1_5:
0xa: {  	s15 =	sadd.s32 $0x1000, s10  }
0xb: {  	s13 =	sadd.s32 $0x20, s11;
	s17 =	smov.u32 s11;
	p1 =	sgt.s32 s15, $0x7A11F  }
0xc: {  	s17 =	smov.u32 @p1 s13  }
0xd: {  	s15 =	smov.u32 @p1 s3;
	p1 =	sgt.s32 s17, $0x1F  }
0xe: {  	s17 =	simm.s32 @p1 $0x0;
	p1 =	sne.s32 s12, s7  }
.Ltmp1:
0xf: {  	p0 =	slt.u32 s12, $0x2;
	(pc) =	sbr.rel @!p1 .LBB1_6-.Ltmp1, $4  }
0x10: {  	s16 =	simm.s32 @!p0 $0x2  }
0x11: {  	s14 =	smov.u32 s11;
	s9 =	sadd.s32 $0x1000, s9;
	_ =	swait.ge @!p0 [sflag:s16], $0x1000  }
0x12: {  	s13 =	smov.u32 s10;
	[sflag:s16] =	ssyncset.done @!p0 $0x0;
	s10 =	smov.u32 s15  }
0x13: {  	s12 =	sadd.s32 $0x1, s12;
	[sflag:s16] =	ssyncadd.s32 @!p0 $0xFFFFF000;
	s11 =	smov.u32 s17  }
.LBB1_1:
0x14: {  	p0 =	sgt.u32 s12, s5  }
0x15: {  	s15 =	sshrl.u32 @!p0 s10, $0x7  }
0x16: {  	s15 =	smulhi.u32 @!p0 $0x10C6249, s15;
	_ =	sdelay $0x1  }
0x17: {  	s15 =	sshrl.u32 @!p0 s15, $0x4  }
0x18: {  	s15 =	smul.u32 @!p0 $0x7A180, s15  }
0x19: {  	s16 =	sxor.u32 @!p0 $0xFFFFFFFF, s12  }
0x1a: {  	s17 =	smul.u32 @!p0 $0xF430, s11;
	s16 =	sshll.u32 @!p0 s16, $0xC;
	s15 =	ssub.s32 @!p0 s10, s15  }
0x1b: {  	s16 =	sand.u32 @!p0 $0x1000, s16;
	s18 =	sand.u32 @!p0 $0x7, s15  }
0x1c: {  	s17 =	sadd.s32 @!p0 s2, s17;
	s15 =	sshrl.u32 @!p0 s15, $0x3;
	s18 =	sshll.u32 @!p0 s18, $0x12  }
0x1d: {  	s15 =	sadd.s32 @!p0 s15, s17;
	s17 =	sor.u32 @!p0 $0x80, s18;
	s18 =	simm.s32 @!p0 $0x7A180  }
0x1e: {  	[tilespmem:s16], [sflag:$0x1] =	stream.strided.gather @!p0 [hbm4b:s15+s17], $0x1000, s18, s17, $0x38;
	[tilespmem:$0x4000] =	vst v63  }
0x1f: {  	p0 =	seq.s32 s12, $0x0  }
0x20: {  	p1 =	sge.u32 @!p0 s12, s7  }
0x21: {  	p0 =	por p0, p1  }
.Ltmp2:
0x22: {  	_ = 	snop;
	(pc) =	sbr.rel @p0 .LBB1_5-.Ltmp2, $1  }
0x23: {  	_ =	sdelay $0x3  }
0x24: {  	s15 =	sand.u32 $0x1000, s9  }
0x25: {  	s16 =	sor.u32 $0x70, s15  }
0x26: {  	v1 =	vmov s16;
	_ =	sdelay $0x1  }
0x27: {  	_ =	swait.ge [sflag:s4], $0x1000  }
0x28: {  	[sflag:s4] =	ssyncset.done $0x0  }
0x29: {  	s17 =	simm.s32 $0x0;
	[sflag:s4] =	ssyncadd.s32 $0xFFFFF000  }
0x2a: {  	s15 =	sor.u32 $0x2040, s15;
	v6 =	vld.idx.msk [tilespmem:v1+s17+$0x0 ss:$0x1], $0xffff  }
0x2b: {  	v0 =	vmov s15;
	v8 =	vld.idx.msk [tilespmem:v1+s17+$0xFFFFFF90 ss:$0x1], $0xffff  }
0x2c: {  	v7 =	vld.idx.msk [tilespmem:v1+s17+$0xFFFFFFA0 ss:$0x1], $0xffff  }
0x2d: {  	v5 =	vld.idx.msk [tilespmem:v1+s17+$0xFFFFFFB0 ss:$0x1], $0xffff  }
0x2e: {  	v4 =	vld.idx.msk [tilespmem:v1+s17+$0xFFFFFFC0 ss:$0x1], $0xffff  }
0x2f: {  	s31 =	sshll.u32 s12, $0xC;
	v2 =	vld.idx.msk [tilespmem:v1+s17+$0xFFFFFFD0 ss:$0x1], $0xffff  }
0x30: {  	s15 =	sand.u32 $0x1000, s31;
	v3 =	vld.idx.msk [tilespmem:v1+s17+$0xFFFFFFE0 ss:$0x1], $0xffff;
	[tilespmem:v0+s17+$0x30 ss:$0x1] =	vst.idx.msk $0xffff, v6  }
0x31: {  	s18 =	simm.s32 $0x400;
	s16 =	simm.s32 $0x80;
	s15 =	sor.u32 $0x2000, s15;
	[tilespmem:v0+s17+$0xFFFFFFC0 ss:$0x1] =	vst.idx.msk $0xffff, v8;
	v6 =	vld.idx.msk [tilespmem:v1+s17+$0xFFFFFFF0 ss:$0x1], $0xffff  }
.LBB1_3:
0x32: {  	p0 =	sne.s32 s18, $0x3E00;
	v8 =	vld.idx.msk [tilespmem:v1+s16+$0x0 ss:$0x1], $0xffff;
	[tilespmem:v0+s17+$0xFFFFFFD0 ss:$0x1] =	vst.idx.msk $0xffff, v7  }
0x33: {  	v9 =	vld.idx.msk [tilespmem:v1+s16+$0xFFFFFF90 ss:$0x1], $0xffff;
	[tilespmem:v0+s17+$0xFFFFFFE0 ss:$0x1] =	vst.idx.msk $0xffff, v5  }
0x34: {  	v7 =	vld.idx.msk [tilespmem:v1+s16+$0xFFFFFFA0 ss:$0x1], $0xffff;
	[tilespmem:v0+s17+$0xFFFFFFF0 ss:$0x1] =	vst.idx.msk $0xffff, v4  }
.Ltmp3:
0x35: {  	v5 =	vld.idx.msk [tilespmem:v1+s16+$0xFFFFFFB0 ss:$0x1], $0xffff;
	[tilespmem:v0+s17+$0x0 ss:$0x1] =	vst.idx.msk $0xffff, v2;
	(pc) =	sbr.rel @p0 .LBB1_3-.Ltmp3, $4  }
0x36: {  	v4 =	vld.idx.msk [tilespmem:v1+s16+$0xFFFFFFC0 ss:$0x1], $0xffff;
	[tilespmem:v0+s17+$0x10 ss:$0x1] =	vst.idx.msk $0xffff, v3  }
0x37: {  	v2 =	vld.idx.msk [tilespmem:v1+s16+$0xFFFFFFD0 ss:$0x1], $0xffff;
	[tilespmem:v0+s17+$0x20 ss:$0x1] =	vst.idx.msk $0xffff, v6;
	s17 =	smov.u32 s16  }
0x38: {  	v3 =	vld.idx.msk [tilespmem:v1+s17+$0xFFFFFFE0 ss:$0x1], $0xffff;
	[tilespmem:v0+s17+$0x30 ss:$0x1] =	vst.idx.msk $0xffff, v8  }
0x39: {  	s16 =	sshra.s32 s18, $0x2;
	s18 =	sadd.s32 $0x200, s18;
	[tilespmem:v0+s17+$0xFFFFFFC0 ss:$0x1] =	vst.idx.msk $0xffff, v9;
	v6 =	vld.idx.msk [tilespmem:v1+s17+$0xFFFFFFF0 ss:$0x1], $0xffff  }
0x3a: {  	_ =	sdelay $0x2  }
0x3b: {  	s18 =	sshrl.u32 s14, $0x3  }
0x3c: {  	[tilespmem:v0+s17+$0xFFFFFFD0 ss:$0x1] =	vst.idx.msk $0xffff, v7;
	s19 =	sshll.u32 s13, $0x3;
	s18 =	smul.u32 $0x3D0C00, s18  }
0x3d: {  	v56 =	vld.idx.msk [tilespmem:v1+s16+$0x0 ss:$0x1], $0xffff;
	[tilespmem:v0+s17+$0xFFFFFFE0 ss:$0x1] =	vst.idx.msk $0xffff, v5;
	s26 =	sshll.u32 s14, $0x7;
	s19 =	sand.u32 $0xFFFFFC00, s19  }
0x3e: {  	v57 =	vld.idx.msk [tilespmem:v1+s16+$0xFFFFFF90 ss:$0x1], $0xffff;
	[tilespmem:v0+s17+$0xFFFFFFF0 ss:$0x1] =	vst.idx.msk $0xffff, v4;
	s14 =	sand.u32 $0x380, s26;
	s18 =	sadd.s32 s18, s19  }
0x3f: {  	v58 =	vld.idx.msk [tilespmem:v1+s16+$0xFFFFFFA0 ss:$0x1], $0xffff;
	[tilespmem:v0+s17+$0x0 ss:$0x1] =	vst.idx.msk $0xffff, v2;
	s14 =	sor.u32 s14, s18  }
0x40: {  	v59 =	vld.idx.msk [tilespmem:v1+s16+$0xFFFFFFB0 ss:$0x1], $0xffff;
	[tilespmem:v0+s17+$0x10 ss:$0x1] =	vst.idx.msk $0xffff, v3;
	s18 =	sshrl.u32 s14, $0x7  }
0x41: {  	v60 =	vld.idx.msk [tilespmem:v1+s16+$0xFFFFFFC0 ss:$0x1], $0xffff;
	[tilespmem:v0+s17+$0x20 ss:$0x1] =	vst.idx.msk $0xffff, v6;
	s27 =	smulhi.u32 $0x10C6249, s18  }
0x42: {  	v61 =	vld.idx.msk [tilespmem:v1+s16+$0xFFFFFFD0 ss:$0x1], $0xffff;
	[tilespmem:v0+s16+$0x30 ss:$0x1] =	vst.idx.msk $0xffff, v56  }
0x43: {  	v62 =	vld.idx.msk [tilespmem:v1+s16+$0xFFFFFFE0 ss:$0x1], $0xffff;
	[tilespmem:v0+s16+$0xFFFFFFC0 ss:$0x1] =	vst.idx.msk $0xffff, v57;
	s17 =	sshrl.u32 s27, $0x4  }
0x44: {  	v63 =	vld.idx.msk [tilespmem:v1+s16+$0xFFFFFFF0 ss:$0x1], $0xffff;
	s28 =	sand.u32 $0x7F, s13;
	[tilespmem:v0+s16+$0xFFFFFFD0 ss:$0x1] =	vst.idx.msk $0xffff, v58;
	s29 =	smul.u32 $0x7A180, s17  }
0x45: {  	s13 =	sor.u32 s28, s14;
	[tilespmem:v0+s16+$0xFFFFFFE0 ss:$0x1] =	vst.idx.msk $0xffff, v59  }
.Ltmp4:
0x46: {  	[tilespmem:v0+s16+$0xFFFFFFF0 ss:$0x1] =	vst.idx.msk $0xffff, v60;
	s30 =	sand.u32 $0x1F, s17;
	s13 =	ssub.s32 s13, s29;
	(pc) =	sbr.rel .LBB1_5-.Ltmp4, $4  }
0x47: {  	[tilespmem:v0+s16+$0x0 ss:$0x1] =	vst.idx.msk $0xffff, v61;
	s14 =	smul.u32 $0xF430, s30;
	s31 =	sshrl.u32 s13, $0x3;
	s13 =	sand.u32 $0x7, s13  }
0x48: {  	[tilespmem:v0+s16+$0x10 ss:$0x1] =	vst.idx.msk $0xffff, v62;
	s17 =	sadd.s32 s6, s31;
	s13 =	sshll.u32 s13, $0x12  }
0x49: {  	[tilespmem:v0+s16+$0x20 ss:$0x1] =	vst.idx.msk $0xffff, v63;
	s14 =	sadd.s32 s14, s17;
	s13 =	sor.u32 $0x400, s13  }
0x4a: {  	[hbm4b:s14+s13] =	stream.strided.scatter [tilespmem:s15], [sflag:$0x2], $0x1000, s8, s13, $0x38;
	[tilespmem:$0x4000] =	vst v63  }
.LBB1_6:
0x4b: {  	_ =	sfence.sel $0x180000  }
0x4c: {  	s2 =	simm.s32 $0x1;
	[bflag:$0x0] =	sbarrier.arrive $0xFFFF  }
0x4d: {  	s31 =	simm.s32 $0x2;
	[sflag:s2] =	ssyncpa.u1 $0x1  }
0x4e: {  	[sflag:s31] =	ssyncpa.u1 $0x1  }
0x4f: {  	p0 =	sne.s32 s0, $0x0;
	_ =	strace $0x90000047  }
0x50: {  	s0 =	sadd.s32 @!p0 $0x100000, s1;
	[bflag:$0x2] =	sbarrier.arrive $0xFFFF  }
0x51: {  	[sflag:s0] =	ssyncadd.tile.s32 @!p0 $0x1;
	_ =	shalt  }
.Lfunc_end1:
_tile_overlayer_lowered:
.L_overlay_start_2:
0x52: {  	(tag) =	ssettag $0x2  }
0x53: {  	s0 =	rddreg [dreg:$0x0];
	s2 =	stileid.u32  }
0x54: {  	s1 =	rddreg [dreg:$0x1];
	p0 =	sne.s32 s2, $0x0  }
0x55: {  	s3 =	rddreg [dreg:$0x2];
	[bflag:$0x3] =	sbarrier.arrive $0xFFFF;
	s2 =	simm.s32 @!p0 $0x1C01  }
0x56: {  	[timem:s3], [sflag:s2] =	dma.local @!p0 [hbm:s0], s1  }
0x57: {  	s0 =	simm.s32 @!p0 $0x1  }
0x58: {  	_ =	swait.ge @!p0 [sflag:s0], s1  }
0x59: {  	s1 =	ssub.s32 @!p0 $0x0, s1;
	[sflag:s0] =	ssyncset.done @!p0 $0x0  }
0x5a: {  	[sflag:s0] =	ssyncadd.s32 @!p0 s1  }
0x5b: {  	[bflag:$0x3] =	sbarrier.arrive $0xFFFF  }
0x5c: {  	_ =	shalt  }

</sc_bundles>
